<compile_context>
chip_gen: v7x
topology: tpu7x:2x2x1
jax: 0.10.2.dev20260603
libtpu: 0.0.44.dev20260713+nightly
codegen_flags: <defaults>
</compile_context>

<pallas_src>
import functools

import jax
import jax.numpy as jnp
from jax import lax
from jax.experimental import pallas as pl
from jax.experimental.pallas import tpu as pltpu
from jax.experimental.pallas import tpu_sc as plsc

N_GENES = 30000
N_DIM = 64
N_CELLS = 512
N_SEL = 2000

_NC = 2
_NS = 16
_NW = _NC * _NS
_SEL_PAD = 2048
_B_PER_W = _SEL_PAD // _NW


def _sc_gather_body(table_hbm, idx_hbm, bias_hbm, w_out, b_out,
                    idx_v, rows_v, bvals_v, sem, bsem):
    wid = lax.axis_index("s") * _NC + lax.axis_index("c")
    base = wid * _B_PER_W
    pltpu.sync_copy(idx_hbm.at[pl.ds(base, _B_PER_W)], idx_v)
    wcopy = pltpu.async_copy(table_hbm.at[idx_v], rows_v, sem)
    bcopy = pltpu.async_copy(bias_hbm.at[idx_v], bvals_v, bsem)
    wcopy.wait()
    pltpu.sync_copy(rows_v, w_out.at[pl.ds(base, _B_PER_W)])
    bcopy.wait()
    pltpu.sync_copy(bvals_v, b_out.at[pl.ds(base, _B_PER_W)])


def _sc_gather(weight1, idx_pad, bias1):
    mesh = plsc.VectorSubcoreMesh(core_axis_name="c", subcore_axis_name="s")
    k = functools.partial(
        pl.kernel,
        mesh=mesh,
        out_type=(
            jax.ShapeDtypeStruct((_SEL_PAD, N_DIM), jnp.float32),
            jax.ShapeDtypeStruct((_SEL_PAD,), jnp.float32),
        ),
        scratch_types=[
            pltpu.VMEM((_B_PER_W,), jnp.int32),
            pltpu.VMEM((_B_PER_W, N_DIM), jnp.float32),
            pltpu.VMEM((_B_PER_W,), jnp.float32),
            pltpu.SemaphoreType.DMA,
            pltpu.SemaphoreType.DMA,
        ],
        compiler_params=pltpu.CompilerParams(use_tc_tiling_on_sc=False),
    )(_sc_gather_body)
    return k(weight1, idx_pad, bias1)


_T = N_SEL // 2
_C_BLK = 32
_N_STEP = N_CELLS // _C_BLK
_TG = 64
_N_GRP = 16


def _tc_body(emb_ref, wp_ref, b_ref, p_ref, d_ref, out_ref):
    for g in range(_N_GRP):
        tg = _TG if g < _N_GRP - 1 else _T - (_N_GRP - 1) * _TG
        sg = 2 * tg
        rows = pl.ds(g * _TG, tg)
        chunk = emb_ref[:, rows, :] * wp_ref[:, rows, :]
        a2 = chunk.reshape(_C_BLK * tg, 128)
        z = jnp.dot(a2, p_ref[...], preferred_element_type=jnp.float32)
        z3 = z.reshape(_C_BLK, tg, 128)
        out_g = jnp.sum(z3 * d_ref[:tg, :][None], axis=1)
        cols = pl.ds(g * 2 * _TG, sg)
        out_ref[:, cols] = out_g[:, :sg] + b_ref[0, cols][None, :]


def _tc_dense(emb13, wp, b2d, pmat, dmask):
    return pl.pallas_call(
        _tc_body,
        grid=(_N_STEP,),
        in_specs=[
            pl.BlockSpec((_C_BLK, _T, 128), lambda i: (i, 0, 0)),
            pl.BlockSpec((1, _T, 128), lambda i: (0, 0, 0)),
            pl.BlockSpec((1, N_SEL), lambda i: (0, 0)),
            pl.BlockSpec((128, 128), lambda i: (0, 0)),
            pl.BlockSpec((_TG, 128), lambda i: (0, 0)),
        ],
        out_specs=pl.BlockSpec((_C_BLK, N_SEL), lambda i: (i, 0)),
        out_shape=jax.ShapeDtypeStruct((N_CELLS, N_SEL), jnp.float32),
    )(emb13, wp, b2d, pmat, dmask)


def kernel(cell_gene_embedding, gene_ix, weight1, bias1):
    idx_pad = jnp.zeros((_SEL_PAD,), jnp.int32).at[:N_SEL].set(
        gene_ix.astype(jnp.int32))
    w_sel, b_sel = _sc_gather(weight1, idx_pad, bias1)
    wp = w_sel[:N_SEL].reshape(1, _T, 128)
    b2d = b_sel[:N_SEL].reshape(1, N_SEL)
    emb13 = cell_gene_embedding.reshape(N_CELLS, _T, 128)
    lane = jnp.arange(128, dtype=jnp.int32)
    pmat = ((lane[:, None] < 64) == (lane[None, :] % 2 == 0)
            ).astype(jnp.float32)
    trow = jnp.arange(_TG, dtype=jnp.int32)
    dmask = (trow[:, None] == lane[None, :] // 2).astype(jnp.float32)
    return _tc_dense(emb13, wp, b2d, pmat, dmask)

# --- scband reference (transcript-rebuilt; emitter-appended) ---
"""Pipeline reference for scband-embedding-to-expression-498216206599 (READ-ONLY COPY).

The authoritative reference and input builder live on the scoring server;
editing this copy changes nothing except your own understanding.
"""

import jax, jax.numpy as jnp
import numpy as np

N_GENES = 30000
N_DIM = 64
N_CELLS = 512
N_SEL = 2000


def setup_inputs(seed: int = 0) -> dict:
    key = jax.random.key(seed)
    k1, k2 = jax.random.split(key)
    cell_gene_embedding = jax.random.normal(k1, (N_CELLS, N_SEL, N_DIM), dtype=jnp.float32)
    gene_ix = jax.random.randint(k2, (N_SEL,), 0, N_GENES)
    # parameters, initialized per initialization='default'
    weight1 = jnp.zeros((N_GENES, N_DIM), dtype=jnp.float32)
    weight1 = weight1.at[:, :5].set(1.0)
    weight1 = weight1.at[:, -1].set(-1.0)
    bias1 = jnp.zeros((N_GENES,), dtype=jnp.float32)
    return {"cell_gene_embedding": cell_gene_embedding, "gene_ix": gene_ix, "weight1": weight1, "bias1": bias1}


def reference(cell_gene_embedding, gene_ix, weight1, bias1):
    # gather gene-specific weights and biases (embedding lookup)
    w = jnp.take(weight1, gene_ix, axis=0)   # [N_SEL, N_DIM]
    b = jnp.take(bias1, gene_ix, axis=0)     # [N_SEL]
    out = (cell_gene_embedding * w).sum(-1) + b  # [N_CELLS, N_SEL]
    return out

if __name__ == "__main__":
    import jax
    _d = setup_inputs()
    print(jax.jit(kernel)(*tuple(_d.values())))

</pallas_src>

<mosaic_0001>
#map = affine_map<(d0, d1) -> (0, 0)>
#map1 = affine_map<(d0, d1) -> (0)>
module attributes {stable_mosaic.version = 14 : i64} {
  func.func @_sc_gather_body(%arg0: i32, %arg1: i32, %arg2: memref<30000x64xf32, #tpu.memory_space<hbm>>, %arg3: memref<2048xi32, #tpu.memory_space<hbm>>, %arg4: memref<30000xf32, #tpu.memory_space<hbm>>, %arg5: memref<2048x64xf32, #tpu.memory_space<hbm>>, %arg6: memref<2048xf32, #tpu.memory_space<hbm>>, %arg7: memref<64xi32, #tpu.memory_space<vmem>>, %arg8: memref<64x64xf32, #tpu.memory_space<vmem>>, %arg9: memref<64xf32, #tpu.memory_space<vmem>>, %arg10: memref<!tpu.dma_semaphore, #tpu.memory_space<semaphore_mem>>, %arg11: memref<!tpu.dma_semaphore, #tpu.memory_space<semaphore_mem>>) attributes {dimension_semantics = [#tpu.dimension_semantics<core_parallel>, #tpu.dimension_semantics<subcore_parallel>], iteration_bounds = array<i64: 2, 16>, scalar_prefetch = 0 : i64, scratch_operands = 5 : i64, tpu.core_type = #tpu.core_type<sc_vector_subcore>, window_params = [{transform_indices = #map}, {transform_indices = #map1}, {transform_indices = #map1}, {transform_indices = #map}, {transform_indices = #map1}]} {
    %mul3A = arith.constant 2 : i32
    %mul3A_0 = arith.muli %arg1, %mul3A : i32
    %add3A = arith.addi %mul3A_0, %arg0 : i32
    %mul3A_1 = arith.constant 64 : i32
    %mul3A_2 = arith.muli %add3A, %mul3A_1 : i32
    "tpu.region"() ({
      %run_scoped3A = tpu.sem_alloc : memref<!tpu.dma_semaphore, #tpu.memory_space<semaphore_mem>>
      %dma_start3A_11 = tpu.memref_slice %arg3[%mul3A_2] : memref<2048xi32, #tpu.memory_space<hbm>> -> memref<64xi32, #tpu.memory_space<hbm>>
      %dma_start3A_12 = tpu.memref_slice %arg3[%mul3A_2] : memref<2048xi32, #tpu.memory_space<hbm>> -> memref<64xi32, #tpu.memory_space<hbm>>
      tpu.enqueue_dma source(%dma_start3A_12 : memref<64xi32, #tpu.memory_space<hbm>>) target(%arg7 : memref<64xi32, #tpu.memory_space<vmem>>) target_semaphore(%run_scoped3A : memref<!tpu.dma_semaphore, #tpu.memory_space<semaphore_mem>>)
      %dma_wait3A_13 = tpu.memref_slice %arg3[%mul3A_2] : memref<2048xi32, #tpu.memory_space<hbm>> -> memref<64xi32, #tpu.memory_space<hbm>>
      %dma_wait3A_14 = tpu.memref_slice %arg3[%mul3A_2] : memref<2048xi32, #tpu.memory_space<hbm>> -> memref<64xi32, #tpu.memory_space<hbm>>
      tpu.wait_dma2 semaphore(%run_scoped3A : memref<!tpu.dma_semaphore, #tpu.memory_space<semaphore_mem>>) src(%dma_wait3A_14 : memref<64xi32, #tpu.memory_space<hbm>>) dst(%arg7 : memref<64xi32, #tpu.memory_space<vmem>>)
      tpu.yield
    }) : () -> ()
    %dma_start3A = arith.constant 0 : i32
    %dma_start3A_3 = arith.constant 0 : i32
    %dma_start3A_4 = tpu.memref_slice %arg2[%dma_start3A, %dma_start3A_3] : memref<30000x64xf32, #tpu.memory_space<hbm>> -> memref<30000x64xf32, #tpu.memory_space<hbm>>
    tpu.enqueue_indirect_dma source(%dma_start3A_4 : memref<30000x64xf32, #tpu.memory_space<hbm>>) target(%arg8 : memref<64x64xf32, #tpu.memory_space<vmem>>) offsets(%arg7 : memref<64xi32, #tpu.memory_space<vmem>>) semaphore(%arg10 : memref<!tpu.dma_semaphore, #tpu.memory_space<semaphore_mem>>)
    %dma_start3A_5 = arith.constant 0 : i32
    %dma_start3A_6 = tpu.memref_slice %arg4[%dma_start3A_5] : memref<30000xf32, #tpu.memory_space<hbm>> -> memref<30000xf32, #tpu.memory_space<hbm>>
    tpu.enqueue_indirect_dma source(%dma_start3A_6 : memref<30000xf32, #tpu.memory_space<hbm>>) target(%arg9 : memref<64xf32, #tpu.memory_space<vmem>>) offsets(%arg7 : memref<64xi32, #tpu.memory_space<vmem>>) semaphore(%arg11 : memref<!tpu.dma_semaphore, #tpu.memory_space<semaphore_mem>>)
    %dma_wait3A = arith.constant 0 : i32
    %dma_wait3A_7 = arith.constant 0 : i32
    %dma_wait3A_8 = tpu.memref_slice %arg2[%dma_wait3A, %dma_wait3A_7] : memref<30000x64xf32, #tpu.memory_space<hbm>> -> memref<30000x64xf32, #tpu.memory_space<hbm>>
    tpu.wait_indirect_dma semaphore(%arg10 : memref<!tpu.dma_semaphore, #tpu.memory_space<semaphore_mem>>) src(%dma_wait3A_8 : memref<30000x64xf32, #tpu.memory_space<hbm>>) dst(%arg8 : memref<64x64xf32, #tpu.memory_space<vmem>>)
    "tpu.region"() ({
      %run_scoped3A = tpu.sem_alloc : memref<!tpu.dma_semaphore, #tpu.memory_space<semaphore_mem>>
      %dma_start3A_11 = arith.constant 0 : i32
      %dma_start3A_12 = tpu.memref_slice %arg5[%mul3A_2, %dma_start3A_11] : memref<2048x64xf32, #tpu.memory_space<hbm>> -> memref<64x64xf32, #tpu.memory_space<hbm>>
      %dma_start3A_13 = arith.constant 0 : i32
      %dma_start3A_14 = tpu.memref_slice %arg5[%mul3A_2, %dma_start3A_13] : memref<2048x64xf32, #tpu.memory_space<hbm>> -> memref<64x64xf32, #tpu.memory_space<hbm>>
      tpu.enqueue_dma source(%arg8 : memref<64x64xf32, #tpu.memory_space<vmem>>) target(%dma_start3A_14 : memref<64x64xf32, #tpu.memory_space<hbm>>) target_semaphore(%run_scoped3A : memref<!tpu.dma_semaphore, #tpu.memory_space<semaphore_mem>>)
      %dma_wait3A_15 = arith.constant 0 : i32
      %dma_wait3A_16 = tpu.memref_slice %arg5[%mul3A_2, %dma_wait3A_15] : memref<2048x64xf32, #tpu.memory_space<hbm>> -> memref<64x64xf32, #tpu.memory_space<hbm>>
      %dma_wait3A_17 = arith.constant 0 : i32
      %dma_wait3A_18 = tpu.memref_slice %arg5[%mul3A_2, %dma_wait3A_17] : memref<2048x64xf32, #tpu.memory_space<hbm>> -> memref<64x64xf32, #tpu.memory_space<hbm>>
      tpu.wait_dma2 semaphore(%run_scoped3A : memref<!tpu.dma_semaphore, #tpu.memory_space<semaphore_mem>>) src(%arg8 : memref<64x64xf32, #tpu.memory_space<vmem>>) dst(%dma_wait3A_18 : memref<64x64xf32, #tpu.memory_space<hbm>>)
      tpu.yield
    }) : () -> ()
    %dma_wait3A_9 = arith.constant 0 : i32
    %dma_wait3A_10 = tpu.memref_slice %arg4[%dma_wait3A_9] : memref<30000xf32, #tpu.memory_space<hbm>> -> memref<30000xf32, #tpu.memory_space<hbm>>
    tpu.wait_indirect_dma semaphore(%arg11 : memref<!tpu.dma_semaphore, #tpu.memory_space<semaphore_mem>>) src(%dma_wait3A_10 : memref<30000xf32, #tpu.memory_space<hbm>>) dst(%arg9 : memref<64xf32, #tpu.memory_space<vmem>>)
    "tpu.region"() ({
      %run_scoped3A = tpu.sem_alloc : memref<!tpu.dma_semaphore, #tpu.memory_space<semaphore_mem>>
      %dma_start3A_11 = tpu.memref_slice %arg6[%mul3A_2] : memref<2048xf32, #tpu.memory_space<hbm>> -> memref<64xf32, #tpu.memory_space<hbm>>
      %dma_start3A_12 = tpu.memref_slice %arg6[%mul3A_2] : memref<2048xf32, #tpu.memory_space<hbm>> -> memref<64xf32, #tpu.memory_space<hbm>>
      tpu.enqueue_dma source(%arg9 : memref<64xf32, #tpu.memory_space<vmem>>) target(%dma_start3A_12 : memref<64xf32, #tpu.memory_space<hbm>>) target_semaphore(%run_scoped3A : memref<!tpu.dma_semaphore, #tpu.memory_space<semaphore_mem>>)
      %dma_wait3A_13 = tpu.memref_slice %arg6[%mul3A_2] : memref<2048xf32, #tpu.memory_space<hbm>> -> memref<64xf32, #tpu.memory_space<hbm>>
      %dma_wait3A_14 = tpu.memref_slice %arg6[%mul3A_2] : memref<2048xf32, #tpu.memory_space<hbm>> -> memref<64xf32, #tpu.memory_space<hbm>>
      tpu.wait_dma2 semaphore(%run_scoped3A : memref<!tpu.dma_semaphore, #tpu.memory_space<semaphore_mem>>) src(%arg9 : memref<64xf32, #tpu.memory_space<vmem>>) dst(%dma_wait3A_14 : memref<64xf32, #tpu.memory_space<hbm>>)
      tpu.yield
    }) : () -> ()
    return
  }
}

module attributes {stable_mosaic.version = 14 : i64} {
  func.func @_tc_body(%arg0: i32, %arg1: memref<32x1000x128xf32, #tpu.memory_space<vmem>>, %arg2: memref<1x1000x128xf32, #tpu.memory_space<vmem>>, %arg3: memref<1x2000xf32, #tpu.memory_space<vmem>>, %arg4: memref<128x128xf32, #tpu.memory_space<vmem>>, %arg5: memref<64x128xf32, #tpu.memory_space<vmem>>, %arg6: memref<32x2000xf32, #tpu.memory_space<vmem>>) attributes {dimension_semantics = [#tpu.dimension_semantics<arbitrary>], iteration_bounds = array<i64: 16>, scalar_prefetch = 0 : i64, scratch_operands = 0 : i64, tpu.core_type = #tpu.core_type<tc>, window_params = [{transform_indices = @transform_0, window_bounds = array<i64: 32, 1000, 128>}, {pipeline_mode = #tpu.pipeline_mode<synchronous>, transform_indices = @transform_1, window_bounds = array<i64: 1, 1000, 128>}, {pipeline_mode = #tpu.pipeline_mode<synchronous>, transform_indices = @transform_2, window_bounds = array<i64: 1, 2000>}, {pipeline_mode = #tpu.pipeline_mode<synchronous>, transform_indices = @transform_3, window_bounds = array<i64: 128, 128>}, {pipeline_mode = #tpu.pipeline_mode<synchronous>, transform_indices = @transform_4, window_bounds = array<i64: 64, 128>}, {transform_indices = @transform_5, window_bounds = array<i64: 32, 2000>}]} {
    %get3A = arith.constant 0 : index
    %get3A_0 = arith.constant 0 : index
    %get3A_1 = arith.constant 0 : index
    %get3A_2 = vector.load %arg1[%get3A, %get3A_0, %get3A_1] : memref<32x1000x128xf32, #tpu.memory_space<vmem>>, vector<32x64x128xf32>
    %get3A_3 = arith.constant 0 : index
    %get3A_4 = arith.constant 0 : index
    %get3A_5 = arith.constant 0 : index
    %get3A_6 = vector.load %arg2[%get3A_3, %get3A_4, %get3A_5] : memref<1x1000x128xf32, #tpu.memory_space<vmem>>, vector<1x64x128xf32>
    %mul3A = vector.broadcast %get3A_6 : vector<1x64x128xf32> to vector<32x64x128xf32>
    %mul3A_7 = arith.mulf %get3A_2, %mul3A : vector<32x64x128xf32>
    %reshape3A = vector.shape_cast %mul3A_7 : vector<32x64x128xf32> to vector<2048x128xf32>
    %get3A_8 = arith.constant 0 : index
    %get3A_9 = arith.constant 0 : index
    %get3A_10 = vector.load %arg4[%get3A_8, %get3A_9] : memref<128x128xf32, #tpu.memory_space<vmem>>, vector<128x128xf32>
    %dot_general3A = arith.constant dense<0.000000e+00> : vector<2048x128xf32>
    %dot_general3A_11 = tpu.matmul %reshape3A, %get3A_10, %dot_general3A {dimension_numbers = #tpu.dot_dimension_numbers<[1], [0], [0], [1], [0, 0, 1, 1], [], []>, transpose_lhs_hint = false} : vector<2048x128xf32>, vector<128x128xf32>, vector<2048x128xf32> -> vector<2048x128xf32>
    %reshape3A_12 = vector.shape_cast %dot_general3A_11 : vector<2048x128xf32> to vector<32x64x128xf32>
    %get3A_13 = arith.constant 0 : index
    %get3A_14 = arith.constant 0 : index
    %get3A_15 = vector.load %arg5[%get3A_13, %get3A_14] : memref<64x128xf32, #tpu.memory_space<vmem>>, vector<64x128xf32>
    %broadcast_in_dim3A = vector.shape_cast %get3A_15 : vector<64x128xf32> to vector<1x64x128xf32>
    %mul3A_16 = vector.broadcast %broadcast_in_dim3A : vector<1x64x128xf32> to vector<32x64x128xf32>
    %mul3A_17 = arith.mulf %reshape3A_12, %mul3A_16 : vector<32x64x128xf32>
    %reduce_sum3A = arith.constant dense<0.000000e+00> : vector<32x128xf32>
    %reduce_sum3A_18 = vector.multi_reduction <add>, %mul3A_17, %reduce_sum3A [1] : vector<32x64x128xf32> to vector<32x128xf32>
    %get3A_19 = arith.constant 0 : index
    %get3A_20 = arith.constant 0 : index
    %get3A_21 = vector.load %arg3[%get3A_19, %get3A_20] : memref<1x2000xf32, #tpu.memory_space<vmem>>, vector<1x128xf32>
    %get3A_22 = vector.shape_cast %get3A_21 : vector<1x128xf32> to vector<128xf32>
    %broadcast_in_dim3A_23 = vector.shape_cast %get3A_22 : vector<128xf32> to vector<1x128xf32>
    %add3A = vector.broadcast %broadcast_in_dim3A_23 : vector<1x128xf32> to vector<32x128xf32>
    %add3A_24 = arith.addf %reduce_sum3A_18, %add3A : vector<32x128xf32>
    %swap3A = arith.constant 0 : index
    %swap3A_25 = arith.constant 0 : index
    %swap3A_26 = vector.load %arg6[%swap3A, %swap3A_25] : memref<32x2000xf32, #tpu.memory_space<vmem>>, vector<32x128xf32>
    tpu.vector_store %arg6[%swap3A, %swap3A_25], %add3A_24 {strides = array<i32>} : memref<32x2000xf32, #tpu.memory_space<vmem>>, vector<32x128xf32>,
    %get3A_27 = arith.constant 0 : index
    %get3A_28 = arith.constant 64 : index
    %get3A_29 = arith.constant 0 : index
    %get3A_30 = vector.load %arg1[%get3A_27, %get3A_28, %get3A_29] : memref<32x1000x128xf32, #tpu.memory_space<vmem>>, vector<32x64x128xf32>
    %get3A_31 = arith.constant 0 : index
    %get3A_32 = arith.constant 64 : index
    %get3A_33 = arith.constant 0 : index
    %get3A_34 = vector.load %arg2[%get3A_31, %get3A_32, %get3A_33] : memref<1x1000x128xf32, #tpu.memory_space<vmem>>, vector<1x64x128xf32>
    %mul3A_35 = vector.broadcast %get3A_34 : vector<1x64x128xf32> to vector<32x64x128xf32>
    %mul3A_36 = arith.mulf %get3A_30, %mul3A_35 : vector<32x64x128xf32>
    %reshape3A_37 = vector.shape_cast %mul3A_36 : vector<32x64x128xf32> to vector<2048x128xf32>
    %get3A_38 = arith.constant 0 : index
    %get3A_39 = arith.constant 0 : index
    %get3A_40 = vector.load %arg4[%get3A_38, %get3A_39] : memref<128x128xf32, #tpu.memory_space<vmem>>, vector<128x128xf32>
    %dot_general3A_41 = arith.constant dense<0.000000e+00> : vector<2048x128xf32>
    %dot_general3A_42 = tpu.matmul %reshape3A_37, %get3A_40, %dot_general3A_41 {dimension_numbers = #tpu.dot_dimension_numbers<[1], [0], [0], [1], [0, 0, 1, 1], [], []>, transpose_lhs_hint = false} : vector<2048x128xf32>, vector<128x128xf32>, vector<2048x128xf32> -> vector<2048x128xf32>
    %reshape3A_43 = vector.shape_cast %dot_general3A_42 : vector<2048x128xf32> to vector<32x64x128xf32>
    %get3A_44 = arith.constant 0 : index
    %get3A_45 = arith.constant 0 : index
    %get3A_46 = vector.load %arg5[%get3A_44, %get3A_45] : memref<64x128xf32, #tpu.memory_space<vmem>>, vector<64x128xf32>
    %broadcast_in_dim3A_47 = vector.shape_cast %get3A_46 : vector<64x128xf32> to vector<1x64x128xf32>
    %mul3A_48 = vector.broadcast %broadcast_in_dim3A_47 : vector<1x64x128xf32> to vector<32x64x128xf32>
    %mul3A_49 = arith.mulf %reshape3A_43, %mul3A_48 : vector<32x64x128xf32>
    %reduce_sum3A_50 = arith.constant dense<0.000000e+00> : vector<32x128xf32>
    %reduce_sum3A_51 = vector.multi_reduction <add>, %mul3A_49, %reduce_sum3A_50 [1] : vector<32x64x128xf32> to vector<32x128xf32>
    %get3A_52 = arith.constant 0 : index
    %get3A_53 = arith.constant 128 : index
    %get3A_54 = vector.load %arg3[%get3A_52, %get3A_53] : memref<1x2000xf32, #tpu.memory_space<vmem>>, vector<1x128xf32>
    %get3A_55 = vector.shape_cast %get3A_54 : vector<1x128xf32> to vector<128xf32>
    %broadcast_in_dim3A_56 = vector.shape_cast %get3A_55 : vector<128xf32> to vector<1x128xf32>
    %add3A_57 = vector.broadcast %broadcast_in_dim3A_56 : vector<1x128xf32> to vector<32x128xf32>
    %add3A_58 = arith.addf %reduce_sum3A_51, %add3A_57 : vector<32x128xf32>
    %swap3A_59 = arith.constant 0 : index
    %swap3A_60 = arith.constant 128 : index
    %swap3A_61 = vector.load %arg6[%swap3A_59, %swap3A_60] : memref<32x2000xf32, #tpu.memory_space<vmem>>, vector<32x128xf32>
    tpu.vector_store %arg6[%swap3A_59, %swap3A_60], %add3A_58 {strides = array<i32>} : memref<32x2000xf32, #tpu.memory_space<vmem>>, vector<32x128xf32>,
    %get3A_62 = arith.constant 0 : index
    %get3A_63 = arith.constant 128 : index
    %get3A_64 = arith.constant 0 : index
    %get3A_65 = vector.load %arg1[%get3A_62, %get3A_63, %get3A_64] : memref<32x1000x128xf32, #tpu.memory_space<vmem>>, vector<32x64x128xf32>
    %get3A_66 = arith.constant 0 : index
    %get3A_67 = arith.constant 128 : index
    %get3A_68 = arith.constant 0 : index
    %get3A_69 = vector.load %arg2[%get3A_66, %get3A_67, %get3A_68] : memref<1x1000x128xf32, #tpu.memory_space<vmem>>, vector<1x64x128xf32>
    %mul3A_70 = vector.broadcast %get3A_69 : vector<1x64x128xf32> to vector<32x64x128xf32>
    %mul3A_71 = arith.mulf %get3A_65, %mul3A_70 : vector<32x64x128xf32>
    %reshape3A_72 = vector.shape_cast %mul3A_71 : vector<32x64x128xf32> to vector<2048x128xf32>
    %get3A_73 = arith.constant 0 : index
    %get3A_74 = arith.constant 0 : index
    %get3A_75 = vector.load %arg4[%get3A_73, %get3A_74] : memref<128x128xf32, #tpu.memory_space<vmem>>, vector<128x128xf32>
    %dot_general3A_76 = arith.constant dense<0.000000e+00> : vector<2048x128xf32>
    %dot_general3A_77 = tpu.matmul %reshape3A_72, %get3A_75, %dot_general3A_76 {dimension_numbers = #tpu.dot_dimension_numbers<[1], [0], [0], [1], [0, 0, 1, 1], [], []>, transpose_lhs_hint = false} : vector<2048x128xf32>, vector<128x128xf32>, vector<2048x128xf32> -> vector<2048x128xf32>
    %reshape3A_78 = vector.shape_cast %dot_general3A_77 : vector<2048x128xf32> to vector<32x64x128xf32>
    %get3A_79 = arith.constant 0 : index
    %get3A_80 = arith.constant 0 : index
    %get3A_81 = vector.load %arg5[%get3A_79, %get3A_80] : memref<64x128xf32, #tpu.memory_space<vmem>>, vector<64x128xf32>
    %broadcast_in_dim3A_82 = vector.shape_cast %get3A_81 : vector<64x128xf32> to vector<1x64x128xf32>
    %mul3A_83 = vector.broadcast %broadcast_in_dim3A_82 : vector<1x64x128xf32> to vector<32x64x128xf32>
    %mul3A_84 = arith.mulf %reshape3A_78, %mul3A_83 : vector<32x64x128xf32>
    %reduce_sum3A_85 = arith.constant dense<0.000000e+00> : vector<32x128xf32>
    %reduce_sum3A_86 = vector.multi_reduction <add>, %mul3A_84, %reduce_sum3A_85 [1] : vector<32x64x128xf32> to vector<32x128xf32>
    %get3A_87 = arith.constant 0 : index
    %get3A_88 = arith.constant 256 : index
    %get3A_89 = vector.load %arg3[%get3A_87, %get3A_88] : memref<1x2000xf32, #tpu.memory_space<vmem>>, vector<1x128xf32>
    %get3A_90 = vector.shape_cast %get3A_89 : vector<1x128xf32> to vector<128xf32>
    %broadcast_in_dim3A_91 = vector.shape_cast %get3A_90 : vector<128xf32> to vector<1x128xf32>
    %add3A_92 = vector.broadcast %broadcast_in_dim3A_91 : vector<1x128xf32> to vector<32x128xf32>
    %add3A_93 = arith.addf %reduce_sum3A_86, %add3A_92 : vector<32x128xf32>
    %swap3A_94 = arith.constant 0 : index
    %swap3A_95 = arith.constant 256 : index
    %swap3A_96 = vector.load %arg6[%swap3A_94, %swap3A_95] : memref<32x2000xf32, #tpu.memory_space<vmem>>, vector<32x128xf32>
    tpu.vector_store %arg6[%swap3A_94, %swap3A_95], %add3A_93 {strides = array<i32>} : memref<32x2000xf32, #tpu.memory_space<vmem>>, vector<32x128xf32>,
    %get3A_97 = arith.constant 0 : index
    %get3A_98 = arith.constant 192 : index
    %get3A_99 = arith.constant 0 : index
    %get3A_100 = vector.load %arg1[%get3A_97, %get3A_98, %get3A_99] : memref<32x1000x128xf32, #tpu.memory_space<vmem>>, vector<32x64x128xf32>
    %get3A_101 = arith.constant 0 : index
    %get3A_102 = arith.constant 192 : index
    %get3A_103 = arith.constant 0 : index
    %get3A_104 = vector.load %arg2[%get3A_101, %get3A_102, %get3A_103] : memref<1x1000x128xf32, #tpu.memory_space<vmem>>, vector<1x64x128xf32>
    %mul3A_105 = vector.broadcast %get3A_104 : vector<1x64x128xf32> to vector<32x64x128xf32>
    %mul3A_106 = arith.mulf %get3A_100, %mul3A_105 : vector<32x64x128xf32>
    %reshape3A_107 = vector.shape_cast %mul3A_106 : vector<32x64x128xf32> to vector<2048x128xf32>
    %get3A_108 = arith.constant 0 : index
    %get3A_109 = arith.constant 0 : index
    %get3A_110 = vector.load %arg4[%get3A_108, %get3A_109] : memref<128x128xf32, #tpu.memory_space<vmem>>, vector<128x128xf32>
    %dot_general3A_111 = arith.constant dense<0.000000e+00> : vector<2048x128xf32>
    %dot_general3A_112 = tpu.matmul %reshape3A_107, %get3A_110, %dot_general3A_111 {dimension_numbers = #tpu.dot_dimension_numbers<[1], [0], [0], [1], [0, 0, 1, 1], [], []>, transpose_lhs_hint = false} : vector<2048x128xf32>, vector<128x128xf32>, vector<2048x128xf32> -> vector<2048x128xf32>
    %reshape3A_113 = vector.shape_cast %dot_general3A_112 : vector<2048x128xf32> to vector<32x64x128xf32>
    %get3A_114 = arith.constant 0 : index
    %get3A_115 = arith.constant 0 : index
    %get3A_116 = vector.load %arg5[%get3A_114, %get3A_115] : memref<64x128xf32, #tpu.memory_space<vmem>>, vector<64x128xf32>
    %broadcast_in_dim3A_117 = vector.shape_cast %get3A_116 : vector<64x128xf32> to vector<1x64x128xf32>
    %mul3A_118 = vector.broadcast %broadcast_in_dim3A_117 : vector<1x64x128xf32> to vector<32x64x128xf32>
    %mul3A_119 = arith.mulf %reshape3A_113, %mul3A_118 : vector<32x64x128xf32>
    %reduce_sum3A_120 = arith.constant dense<0.000000e+00> : vector<32x128xf32>
    %reduce_sum3A_121 = vector.multi_reduction <add>, %mul3A_119, %reduce_sum3A_120 [1] : vector<32x64x128xf32> to vector<32x128xf32>
    %get3A_122 = arith.constant 0 : index
    %get3A_123 = arith.constant 384 : index
    %get3A_124 = vector.load %arg3[%get3A_122, %get3A_123] : memref<1x2000xf32, #tpu.memory_space<vmem>>, vector<1x128xf32>
    %get3A_125 = vector.shape_cast %get3A_124 : vector<1x128xf32> to vector<128xf32>
    %broadcast_in_dim3A_126 = vector.shape_cast %get3A_125 : vector<128xf32> to vector<1x128xf32>
    %add3A_127 = vector.broadcast %broadcast_in_dim3A_126 : vector<1x128xf32> to vector<32x128xf32>
    %add3A_128 = arith.addf %reduce_sum3A_121, %add3A_127 : vector<32x128xf32>
    %swap3A_129 = arith.constant 0 : index
    %swap3A_130 = arith.constant 384 : index
    %swap3A_131 = vector.load %arg6[%swap3A_129, %swap3A_130] : memref<32x2000xf32, #tpu.memory_space<vmem>>, vector<32x128xf32>
    tpu.vector_store %arg6[%swap3A_129, %swap3A_130], %add3A_128 {strides = array<i32>} : memref<32x2000xf32, #tpu.memory_space<vmem>>, vector<32x128xf32>,
    %get3A_132 = arith.constant 0 : index
    %get3A_133 = arith.constant 256 : index
    %get3A_134 = arith.constant 0 : index
    %get3A_135 = vector.load %arg1[%get3A_132, %get3A_133, %get3A_134] : memref<32x1000x128xf32, #tpu.memory_space<vmem>>, vector<32x64x128xf32>
    %get3A_136 = arith.constant 0 : index
    %get3A_137 = arith.constant 256 : index
    %get3A_138 = arith.constant 0 : index
    %get3A_139 = vector.load %arg2[%get3A_136, %get3A_137, %get3A_138] : memref<1x1000x128xf32, #tpu.memory_space<vmem>>, vector<1x64x128xf32>
    %mul3A_140 = vector.broadcast %get3A_139 : vector<1x64x128xf32> to vector<32x64x128xf32>
    %mul3A_141 = arith.mulf %get3A_135, %mul3A_140 : vector<32x64x128xf32>
    %reshape3A_142 = vector.shape_cast %mul3A_141 : vector<32x64x128xf32> to vector<2048x128xf32>
    %get3A_143 = arith.constant 0 : index
    %get3A_144 = arith.constant 0 : index
    %get3A_145 = vector.load %arg4[%get3A_143, %get3A_144] : memref<128x128xf32, #tpu.memory_space<vmem>>, vector<128x128xf32>
    %dot_general3A_146 = arith.constant dense<0.000000e+00> : vector<2048x128xf32>
    %dot_general3A_147 = tpu.matmul %reshape3A_142, %get3A_145, %dot_general3A_146 {dimension_numbers = #tpu.dot_dimension_numbers<[1], [0], [0], [1], [0, 0, 1, 1], [], []>, transpose_lhs_hint = false} : vector<2048x128xf32>, vector<128x128xf32>, vector<2048x128xf32> -> vector<2048x128xf32>
    %reshape3A_148 = vector.shape_cast %dot_general3A_147 : vector<2048x128xf32> to vector<32x64x128xf32>
    %get3A_149 = arith.constant 0 : index
    %get3A_150 = arith.constant 0 : index
    %get3A_151 = vector.load %arg5[%get3A_149, %get3A_150] : memref<64x128xf32, #tpu.memory_space<vmem>>, vector<64x128xf32>
    %broadcast_in_dim3A_152 = vector.shape_cast %get3A_151 : vector<64x128xf32> to vector<1x64x128xf32>
    %mul3A_153 = vector.broadcast %broadcast_in_dim3A_152 : vector<1x64x128xf32> to vector<32x64x128xf32>
    %mul3A_154 = arith.mulf %reshape3A_148, %mul3A_153 : vector<32x64x128xf32>
    %reduce_sum3A_155 = arith.constant dense<0.000000e+00> : vector<32x128xf32>
    %reduce_sum3A_156 = vector.multi_reduction <add>, %mul3A_154, %reduce_sum3A_155 [1] : vector<32x64x128xf32> to vector<32x128xf32>
    %get3A_157 = arith.constant 0 : index
    %get3A_158 = arith.constant 512 : index
    %get3A_159 = vector.load %arg3[%get3A_157, %get3A_158] : memref<1x2000xf32, #tpu.memory_space<vmem>>, vector<1x128xf32>
    %get3A_160 = vector.shape_cast %get3A_159 : vector<1x128xf32> to vector<128xf32>
    %broadcast_in_dim3A_161 = vector.shape_cast %get3A_160 : vector<128xf32> to vector<1x128xf32>
    %add3A_162 = vector.broadcast %broadcast_in_dim3A_161 : vector<1x128xf32> to vector<32x128xf32>
    %add3A_163 = arith.addf %reduce_sum3A_156, %add3A_162 : vector<32x128xf32>
    %swap3A_164 = arith.constant 0 : index
    %swap3A_165 = arith.constant 512 : index
    %swap3A_166 = vector.load %arg6[%swap3A_164, %swap3A_165] : memref<32x2000xf32, #tpu.memory_space<vmem>>, vector<32x128xf32>
    tpu.vector_store %arg6[%swap3A_164, %swap3A_165], %add3A_163 {strides = array<i32>} : memref<32x2000xf32, #tpu.memory_space<vmem>>, vector<32x128xf32>,
    %get3A_167 = arith.constant 0 : index
    %get3A_168 = arith.constant 320 : index
    %get3A_169 = arith.constant 0 : index
    %get3A_170 = vector.load %arg1[%get3A_167, %get3A_168, %get3A_169] : memref<32x1000x128xf32, #tpu.memory_space<vmem>>, vector<32x64x128xf32>
    %get3A_171 = arith.constant 0 : index
    %get3A_172 = arith.constant 320 : index
    %get3A_173 = arith.constant 0 : index
    %get3A_174 = vector.load %arg2[%get3A_171, %get3A_172, %get3A_173] : memref<1x1000x128xf32, #tpu.memory_space<vmem>>, vector<1x64x128xf32>
    %mul3A_175 = vector.broadcast %get3A_174 : vector<1x64x128xf32> to vector<32x64x128xf32>
    %mul3A_176 = arith.mulf %get3A_170, %mul3A_175 : vector<32x64x128xf32>
    %reshape3A_177 = vector.shape_cast %mul3A_176 : vector<32x64x128xf32> to vector<2048x128xf32>
    %get3A_178 = arith.constant 0 : index
    %get3A_179 = arith.constant 0 : index
    %get3A_180 = vector.load %arg4[%get3A_178, %get3A_179] : memref<128x128xf32, #tpu.memory_space<vmem>>, vector<128x128xf32>
    %dot_general3A_181 = arith.constant dense<0.000000e+00> : vector<2048x128xf32>
    %dot_general3A_182 = tpu.matmul %reshape3A_177, %get3A_180, %dot_general3A_181 {dimension_numbers = #tpu.dot_dimension_numbers<[1], [0], [0], [1], [0, 0, 1, 1], [], []>, transpose_lhs_hint = false} : vector<2048x128xf32>, vector<128x128xf32>, vector<2048x128xf32> -> vector<2048x128xf32>
    %reshape3A_183 = vector.shape_cast %dot_general3A_182 : vector<2048x128xf32> to vector<32x64x128xf32>
    %get3A_184 = arith.constant 0 : index
    %get3A_185 = arith.constant 0 : index
    %get3A_186 = vector.load %arg5[%get3A_184, %get3A_185] : memref<64x128xf32, #tpu.memory_space<vmem>>, vector<64x128xf32>
    %broadcast_in_dim3A_187 = vector.shape_cast %get3A_186 : vector<64x128xf32> to vector<1x64x128xf32>
    %mul3A_188 = vector.broadcast %broadcast_in_dim3A_187 : vector<1x64x128xf32> to vector<32x64x128xf32>
    %mul3A_189 = arith.mulf %reshape3A_183, %mul3A_188 : vector<32x64x128xf32>
    %reduce_sum3A_190 = arith.constant dense<0.000000e+00> : vector<32x128xf32>
    %reduce_sum3A_191 = vector.multi_reduction <add>, %mul3A_189, %reduce_sum3A_190 [1] : vector<32x64x128xf32> to vector<32x128xf32>
    %get3A_192 = arith.constant 0 : index
    %get3A_193 = arith.constant 640 : index
    %get3A_194 = vector.load %arg3[%get3A_192, %get3A_193] : memref<1x2000xf32, #tpu.memory_space<vmem>>, vector<1x128xf32>
    %get3A_195 = vector.shape_cast %get3A_194 : vector<1x128xf32> to vector<128xf32>
    %broadcast_in_dim3A_196 = vector.shape_cast %get3A_195 : vector<128xf32> to vector<1x128xf32>
    %add3A_197 = vector.broadcast %broadcast_in_dim3A_196 : vector<1x128xf32> to vector<32x128xf32>
    %add3A_198 = arith.addf %reduce_sum3A_191, %add3A_197 : vector<32x128xf32>
    %swap3A_199 = arith.constant 0 : index
    %swap3A_200 = arith.constant 640 : index
    %swap3A_201 = vector.load %arg6[%swap3A_199, %swap3A_200] : memref<32x2000xf32, #tpu.memory_space<vmem>>, vector<32x128xf32>
    tpu.vector_store %arg6[%swap3A_199, %swap3A_200], %add3A_198 {strides = array<i32>} : memref<32x2000xf32, #tpu.memory_space<vmem>>, vector<32x128xf32>,
    %get3A_202 = arith.constant 0 : index
    %get3A_203 = arith.constant 384 : index
    %get3A_204 = arith.constant 0 : index
    %get3A_205 = vector.load %arg1[%get3A_202, %get3A_203, %get3A_204] : memref<32x1000x128xf32, #tpu.memory_space<vmem>>, vector<32x64x128xf32>
    %get3A_206 = arith.constant 0 : index
    %get3A_207 = arith.constant 384 : index
    %get3A_208 = arith.constant 0 : index
    %get3A_209 = vector.load %arg2[%get3A_206, %get3A_207, %get3A_208] : memref<1x1000x128xf32, #tpu.memory_space<vmem>>, vector<1x64x128xf32>
    %mul3A_210 = vector.broadcast %get3A_209 : vector<1x64x128xf32> to vector<32x64x128xf32>
    %mul3A_211 = arith.mulf %get3A_205, %mul3A_210 : vector<32x64x128xf32>
    %reshape3A_212 = vector.shape_cast %mul3A_211 : vector<32x64x128xf32> to vector<2048x128xf32>
    %get3A_213 = arith.constant 0 : index
    %get3A_214 = arith.constant 0 : index
    %get3A_215 = vector.load %arg4[%get3A_213, %get3A_214] : memref<128x128xf32, #tpu.memory_space<vmem>>, vector<128x128xf32>
    %dot_general3A_216 = arith.constant dense<0.000000e+00> : vector<2048x128xf32>
    %dot_general3A_217 = tpu.matmul %reshape3A_212, %get3A_215, %dot_general3A_216 {dimension_numbers = #tpu.dot_dimension_numbers<[1], [0], [0], [1], [0, 0, 1, 1], [], []>, transpose_lhs_hint = false} : vector<2048x128xf32>, vector<128x128xf32>, vector<2048x128xf32> -> vector<2048x128xf32>
    %reshape3A_218 = vector.shape_cast %dot_general3A_217 : vector<2048x128xf32> to vector<32x64x128xf32>
    %get3A_219 = arith.constant 0 : index
    %get3A_220 = arith.constant 0 : index
    %get3A_221 = vector.load %arg5[%get3A_219, %get3A_220] : memref<64x128xf32, #tpu.memory_space<vmem>>, vector<64x128xf32>
    %broadcast_in_dim3A_222 = vector.shape_cast %get3A_221 : vector<64x128xf32> to vector<1x64x128xf32>
    %mul3A_223 = vector.broadcast %broadcast_in_dim3A_222 : vector<1x64x128xf32> to vector<32x64x128xf32>
    %mul3A_224 = arith.mulf %reshape3A_218, %mul3A_223 : vector<32x64x128xf32>
    %reduce_sum3A_225 = arith.constant dense<0.000000e+00> : vector<32x128xf32>
    %reduce_sum3A_226 = vector.multi_reduction <add>, %mul3A_224, %reduce_sum3A_225 [1] : vector<32x64x128xf32> to vector<32x128xf32>
    %get3A_227 = arith.constant 0 : index
    %get3A_228 = arith.constant 768 : index
    %get3A_229 = vector.load %arg3[%get3A_227, %get3A_228] : memref<1x2000xf32, #tpu.memory_space<vmem>>, vector<1x128xf32>
    %get3A_230 = vector.shape_cast %get3A_229 : vector<1x128xf32> to vector<128xf32>
    %broadcast_in_dim3A_231 = vector.shape_cast %get3A_230 : vector<128xf32> to vector<1x128xf32>
    %add3A_232 = vector.broadcast %broadcast_in_dim3A_231 : vector<1x128xf32> to vector<32x128xf32>
    %add3A_233 = arith.addf %reduce_sum3A_226, %add3A_232 : vector<32x128xf32>
    %swap3A_234 = arith.constant 0 : index
    %swap3A_235 = arith.constant 768 : index
    %swap3A_236 = vector.load %arg6[%swap3A_234, %swap3A_235] : memref<32x2000xf32, #tpu.memory_space<vmem>>, vector<32x128xf32>
    tpu.vector_store %arg6[%swap3A_234, %swap3A_235], %add3A_233 {strides = array<i32>} : memref<32x2000xf32, #tpu.memory_space<vmem>>, vector<32x128xf32>,
    %get3A_237 = arith.constant 0 : index
    %get3A_238 = arith.constant 448 : index
    %get3A_239 = arith.constant 0 : index
    %get3A_240 = vector.load %arg1[%get3A_237, %get3A_238, %get3A_239] : memref<32x1000x128xf32, #tpu.memory_space<vmem>>, vector<32x64x128xf32>
    %get3A_241 = arith.constant 0 : index
    %get3A_242 = arith.constant 448 : index
    %get3A_243 = arith.constant 0 : index
    %get3A_244 = vector.load %arg2[%get3A_241, %get3A_242, %get3A_243] : memref<1x1000x128xf32, #tpu.memory_space<vmem>>, vector<1x64x128xf32>
    %mul3A_245 = vector.broadcast %get3A_244 : vector<1x64x128xf32> to vector<32x64x128xf32>
    %mul3A_246 = arith.mulf %get3A_240, %mul3A_245 : vector<32x64x128xf32>
    %reshape3A_247 = vector.shape_cast %mul3A_246 : vector<32x64x128xf32> to vector<2048x128xf32>
    %get3A_248 = arith.constant 0 : index
    %get3A_249 = arith.constant 0 : index
    %get3A_250 = vector.load %arg4[%get3A_248, %get3A_249] : memref<128x128xf32, #tpu.memory_space<vmem>>, vector<128x128xf32>
    %dot_general3A_251 = arith.constant dense<0.000000e+00> : vector<2048x128xf32>
    %dot_general3A_252 = tpu.matmul %reshape3A_247, %get3A_250, %dot_general3A_251 {dimension_numbers = #tpu.dot_dimension_numbers<[1], [0], [0], [1], [0, 0, 1, 1], [], []>, transpose_lhs_hint = false} : vector<2048x128xf32>, vector<128x128xf32>, vector<2048x128xf32> -> vector<2048x128xf32>
    %reshape3A_253 = vector.shape_cast %dot_general3A_252 : vector<2048x128xf32> to vector<32x64x128xf32>
    %get3A_254 = arith.constant 0 : index
    %get3A_255 = arith.constant 0 : index
    %get3A_256 = vector.load %arg5[%get3A_254, %get3A_255] : memref<64x128xf32, #tpu.memory_space<vmem>>, vector<64x128xf32>
    %broadcast_in_dim3A_257 = vector.shape_cast %get3A_256 : vector<64x128xf32> to vector<1x64x128xf32>
    %mul3A_258 = vector.broadcast %broadcast_in_dim3A_257 : vector<1x64x128xf32> to vector<32x64x128xf32>
    %mul3A_259 = arith.mulf %reshape3A_253, %mul3A_258 : vector<32x64x128xf32>
    %reduce_sum3A_260 = arith.constant dense<0.000000e+00> : vector<32x128xf32>
    %reduce_sum3A_261 = vector.multi_reduction <add>, %mul3A_259, %reduce_sum3A_260 [1] : vector<32x64x128xf32> to vector<32x128xf32>
    %get3A_262 = arith.constant 0 : index
    %get3A_263 = arith.constant 896 : index
    %get3A_264 = vector.load %arg3[%get3A_262, %get3A_263] : memref<1x2000xf32, #tpu.memory_space<vmem>>, vector<1x128xf32>
    %get3A_265 = vector.shape_cast %get3A_264 : vector<1x128xf32> to vector<128xf32>
    %broadcast_in_dim3A_266 = vector.shape_cast %get3A_265 : vector<128xf32> to vector<1x128xf32>
    %add3A_267 = vector.broadcast %broadcast_in_dim3A_266 : vector<1x128xf32> to vector<32x128xf32>
    %add3A_268 = arith.addf %reduce_sum3A_261, %add3A_267 : vector<32x128xf32>
    %swap3A_269 = arith.constant 0 : index
    %swap3A_270 = arith.constant 896 : index
    %swap3A_271 = vector.load %arg6[%swap3A_269, %swap3A_270] : memref<32x2000xf32, #tpu.memory_space<vmem>>, vector<32x128xf32>
    tpu.vector_store %arg6[%swap3A_269, %swap3A_270], %add3A_268 {strides = array<i32>} : memref<32x2000xf32, #tpu.memory_space<vmem>>, vector<32x128xf32>,
    %get3A_272 = arith.constant 0 : index
    %get3A_273 = arith.constant 512 : index
    %get3A_274 = arith.constant 0 : index
    %get3A_275 = vector.load %arg1[%get3A_272, %get3A_273, %get3A_274] : memref<32x1000x128xf32, #tpu.memory_space<vmem>>, vector<32x64x128xf32>
    %get3A_276 = arith.constant 0 : index
    %get3A_277 = arith.constant 512 : index
    %get3A_278 = arith.constant 0 : index
    %get3A_279 = vector.load %arg2[%get3A_276, %get3A_277, %get3A_278] : memref<1x1000x128xf32, #tpu.memory_space<vmem>>, vector<1x64x128xf32>
    %mul3A_280 = vector.broadcast %get3A_279 : vector<1x64x128xf32> to vector<32x64x128xf32>
    %mul3A_281 = arith.mulf %get3A_275, %mul3A_280 : vector<32x64x128xf32>
    %reshape3A_282 = vector.shape_cast %mul3A_281 : vector<32x64x128xf32> to vector<2048x128xf32>
    %get3A_283 = arith.constant 0 : index
    %get3A_284 = arith.constant 0 : index
    %get3A_285 = vector.load %arg4[%get3A_283, %get3A_284] : memref<128x128xf32, #tpu.memory_space<vmem>>, vector<128x128xf32>
    %dot_general3A_286 = arith.constant dense<0.000000e+00> : vector<2048x128xf32>
    %dot_general3A_287 = tpu.matmul %reshape3A_282, %get3A_285, %dot_general3A_286 {dimension_numbers = #tpu.dot_dimension_numbers<[1], [0], [0], [1], [0, 0, 1, 1], [], []>, transpose_lhs_hint = false} : vector<2048x128xf32>, vector<128x128xf32>, vector<2048x128xf32> -> vector<2048x128xf32>
    %reshape3A_288 = vector.shape_cast %dot_general3A_287 : vector<2048x128xf32> to vector<32x64x128xf32>
    %get3A_289 = arith.constant 0 : index
    %get3A_290 = arith.constant 0 : index
    %get3A_291 = vector.load %arg5[%get3A_289, %get3A_290] : memref<64x128xf32, #tpu.memory_space<vmem>>, vector<64x128xf32>
    %broadcast_in_dim3A_292 = vector.shape_cast %get3A_291 : vector<64x128xf32> to vector<1x64x128xf32>
    %mul3A_293 = vector.broadcast %broadcast_in_dim3A_292 : vector<1x64x128xf32> to vector<32x64x128xf32>
    %mul3A_294 = arith.mulf %reshape3A_288, %mul3A_293 : vector<32x64x128xf32>
    %reduce_sum3A_295 = arith.constant dense<0.000000e+00> : vector<32x128xf32>
    %reduce_sum3A_296 = vector.multi_reduction <add>, %mul3A_294, %reduce_sum3A_295 [1] : vector<32x64x128xf32> to vector<32x128xf32>
    %get3A_297 = arith.constant 0 : index
    %get3A_298 = arith.constant 1024 : index
    %get3A_299 = vector.load %arg3[%get3A_297, %get3A_298] : memref<1x2000xf32, #tpu.memory_space<vmem>>, vector<1x128xf32>
    %get3A_300 = vector.shape_cast %get3A_299 : vector<1x128xf32> to vector<128xf32>
    %broadcast_in_dim3A_301 = vector.shape_cast %get3A_300 : vector<128xf32> to vector<1x128xf32>
    %add3A_302 = vector.broadcast %broadcast_in_dim3A_301 : vector<1x128xf32> to vector<32x128xf32>
    %add3A_303 = arith.addf %reduce_sum3A_296, %add3A_302 : vector<32x128xf32>
    %swap3A_304 = arith.constant 0 : index
    %swap3A_305 = arith.constant 1024 : index
    %swap3A_306 = vector.load %arg6[%swap3A_304, %swap3A_305] : memref<32x2000xf32, #tpu.memory_space<vmem>>, vector<32x128xf32>
    tpu.vector_store %arg6[%swap3A_304, %swap3A_305], %add3A_303 {strides = array<i32>} : memref<32x2000xf32, #tpu.memory_space<vmem>>, vector<32x128xf32>,
    %get3A_307 = arith.constant 0 : index
    %get3A_308 = arith.constant 576 : index
    %get3A_309 = arith.constant 0 : index
    %get3A_310 = vector.load %arg1[%get3A_307, %get3A_308, %get3A_309] : memref<32x1000x128xf32, #tpu.memory_space<vmem>>, vector<32x64x128xf32>
    %get3A_311 = arith.constant 0 : index
    %get3A_312 = arith.constant 576 : index
    %get3A_313 = arith.constant 0 : index
    %get3A_314 = vector.load %arg2[%get3A_311, %get3A_312, %get3A_313] : memref<1x1000x128xf32, #tpu.memory_space<vmem>>, vector<1x64x128xf32>
    %mul3A_315 = vector.broadcast %get3A_314 : vector<1x64x128xf32> to vector<32x64x128xf32>
    %mul3A_316 = arith.mulf %get3A_310, %mul3A_315 : vector<32x64x128xf32>
    %reshape3A_317 = vector.shape_cast %mul3A_316 : vector<32x64x128xf32> to vector<2048x128xf32>
    %get3A_318 = arith.constant 0 : index
    %get3A_319 = arith.constant 0 : index
    %get3A_320 = vector.load %arg4[%get3A_318, %get3A_319] : memref<128x128xf32, #tpu.memory_space<vmem>>, vector<128x128xf32>
    %dot_general3A_321 = arith.constant dense<0.000000e+00> : vector<2048x128xf32>
    %dot_general3A_322 = tpu.matmul %reshape3A_317, %get3A_320, %dot_general3A_321 {dimension_numbers = #tpu.dot_dimension_numbers<[1], [0], [0], [1], [0, 0, 1, 1], [], []>, transpose_lhs_hint = false} : vector<2048x128xf32>, vector<128x128xf32>, vector<2048x128xf32> -> vector<2048x128xf32>
    %reshape3A_323 = vector.shape_cast %dot_general3A_322 : vector<2048x128xf32> to vector<32x64x128xf32>
    %get3A_324 = arith.constant 0 : index
    %get3A_325 = arith.constant 0 : index
    %get3A_326 = vector.load %arg5[%get3A_324, %get3A_325] : memref<64x128xf32, #tpu.memory_space<vmem>>, vector<64x128xf32>
    %broadcast_in_dim3A_327 = vector.shape_cast %get3A_326 : vector<64x128xf32> to vector<1x64x128xf32>
    %mul3A_328 = vector.broadcast %broadcast_in_dim3A_327 : vector<1x64x128xf32> to vector<32x64x128xf32>
    %mul3A_329 = arith.mulf %reshape3A_323, %mul3A_328 : vector<32x64x128xf32>
    %reduce_sum3A_330 = arith.constant dense<0.000000e+00> : vector<32x128xf32>
    %reduce_sum3A_331 = vector.multi_reduction <add>, %mul3A_329, %reduce_sum3A_330 [1] : vector<32x64x128xf32> to vector<32x128xf32>
    %get3A_332 = arith.constant 0 : index
    %get3A_333 = arith.constant 1152 : index
    %get3A_334 = vector.load %arg3[%get3A_332, %get3A_333] : memref<1x2000xf32, #tpu.memory_space<vmem>>, vector<1x128xf32>
    %get3A_335 = vector.shape_cast %get3A_334 : vector<1x128xf32> to vector<128xf32>
    %broadcast_in_dim3A_336 = vector.shape_cast %get3A_335 : vector<128xf32> to vector<1x128xf32>
    %add3A_337 = vector.broadcast %broadcast_in_dim3A_336 : vector<1x128xf32> to vector<32x128xf32>
    %add3A_338 = arith.addf %reduce_sum3A_331, %add3A_337 : vector<32x128xf32>
    %swap3A_339 = arith.constant 0 : index
    %swap3A_340 = arith.constant 1152 : index
    %swap3A_341 = vector.load %arg6[%swap3A_339, %swap3A_340] : memref<32x2000xf32, #tpu.memory_space<vmem>>, vector<32x128xf32>
    tpu.vector_store %arg6[%swap3A_339, %swap3A_340], %add3A_338 {strides = array<i32>} : memref<32x2000xf32, #tpu.memory_space<vmem>>, vector<32x128xf32>,
    %get3A_342 = arith.constant 0 : index
    %get3A_343 = arith.constant 640 : index
    %get3A_344 = arith.constant 0 : index
    %get3A_345 = vector.load %arg1[%get3A_342, %get3A_343, %get3A_344] : memref<32x1000x128xf32, #tpu.memory_space<vmem>>, vector<32x64x128xf32>
    %get3A_346 = arith.constant 0 : index
    %get3A_347 = arith.constant 640 : index
    %get3A_348 = arith.constant 0 : index
    %get3A_349 = vector.load %arg2[%get3A_346, %get3A_347, %get3A_348] : memref<1x1000x128xf32, #tpu.memory_space<vmem>>, vector<1x64x128xf32>
    %mul3A_350 = vector.broadcast %get3A_349 : vector<1x64x128xf32> to vector<32x64x128xf32>
    %mul3A_351 = arith.mulf %get3A_345, %mul3A_350 : vector<32x64x128xf32>
    %reshape3A_352 = vector.shape_cast %mul3A_351 : vector<32x64x128xf32> to vector<2048x128xf32>
    %get3A_353 = arith.constant 0 : index
    %get3A_354 = arith.constant 0 : index
    %get3A_355 = vector.load %arg4[%get3A_353, %get3A_354] : memref<128x128xf32, #tpu.memory_space<vmem>>, vector<128x128xf32>
    %dot_general3A_356 = arith.constant dense<0.000000e+00> : vector<2048x128xf32>
    %dot_general3A_357 = tpu.matmul %reshape3A_352, %get3A_355, %dot_general3A_356 {dimension_numbers = #tpu.dot_dimension_numbers<[1], [0], [0], [1], [0, 0, 1, 1], [], []>, transpose_lhs_hint = false} : vector<2048x128xf32>, vector<128x128xf32>, vector<2048x128xf32> -> vector<2048x128xf32>
    %reshape3A_358 = vector.shape_cast %dot_general3A_357 : vector<2048x128xf32> to vector<32x64x128xf32>
    %get3A_359 = arith.constant 0 : index
    %get3A_360 = arith.constant 0 : index
    %get3A_361 = vector.load %arg5[%get3A_359, %get3A_360] : memref<64x128xf32, #tpu.memory_space<vmem>>, vector<64x128xf32>
    %broadcast_in_dim3A_362 = vector.shape_cast %get3A_361 : vector<64x128xf32> to vector<1x64x128xf32>
    %mul3A_363 = vector.broadcast %broadcast_in_dim3A_362 : vector<1x64x128xf32> to vector<32x64x128xf32>
    %mul3A_364 = arith.mulf %reshape3A_358, %mul3A_363 : vector<32x64x128xf32>
    %reduce_sum3A_365 = arith.constant dense<0.000000e+00> : vector<32x128xf32>
    %reduce_sum3A_366 = vector.multi_reduction <add>, %mul3A_364, %reduce_sum3A_365 [1] : vector<32x64x128xf32> to vector<32x128xf32>
    %get3A_367 = arith.constant 0 : index
    %get3A_368 = arith.constant 1280 : index
    %get3A_369 = vector.load %arg3[%get3A_367, %get3A_368] : memref<1x2000xf32, #tpu.memory_space<vmem>>, vector<1x128xf32>
    %get3A_370 = vector.shape_cast %get3A_369 : vector<1x128xf32> to vector<128xf32>
    %broadcast_in_dim3A_371 = vector.shape_cast %get3A_370 : vector<128xf32> to vector<1x128xf32>
    %add3A_372 = vector.broadcast %broadcast_in_dim3A_371 : vector<1x128xf32> to vector<32x128xf32>
    %add3A_373 = arith.addf %reduce_sum3A_366, %add3A_372 : vector<32x128xf32>
    %swap3A_374 = arith.constant 0 : index
    %swap3A_375 = arith.constant 1280 : index
    %swap3A_376 = vector.load %arg6[%swap3A_374, %swap3A_375] : memref<32x2000xf32, #tpu.memory_space<vmem>>, vector<32x128xf32>
    tpu.vector_store %arg6[%swap3A_374, %swap3A_375], %add3A_373 {strides = array<i32>} : memref<32x2000xf32, #tpu.memory_space<vmem>>, vector<32x128xf32>,
    %get3A_377 = arith.constant 0 : index
    %get3A_378 = arith.constant 704 : index
    %get3A_379 = arith.constant 0 : index
    %get3A_380 = vector.load %arg1[%get3A_377, %get3A_378, %get3A_379] : memref<32x1000x128xf32, #tpu.memory_space<vmem>>, vector<32x64x128xf32>
    %get3A_381 = arith.constant 0 : index
    %get3A_382 = arith.constant 704 : index
    %get3A_383 = arith.constant 0 : index
    %get3A_384 = vector.load %arg2[%get3A_381, %get3A_382, %get3A_383] : memref<1x1000x128xf32, #tpu.memory_space<vmem>>, vector<1x64x128xf32>
    %mul3A_385 = vector.broadcast %get3A_384 : vector<1x64x128xf32> to vector<32x64x128xf32>
    %mul3A_386 = arith.mulf %get3A_380, %mul3A_385 : vector<32x64x128xf32>
    %reshape3A_387 = vector.shape_cast %mul3A_386 : vector<32x64x128xf32> to vector<2048x128xf32>
    %get3A_388 = arith.constant 0 : index
    %get3A_389 = arith.constant 0 : index
    %get3A_390 = vector.load %arg4[%get3A_388, %get3A_389] : memref<128x128xf32, #tpu.memory_space<vmem>>, vector<128x128xf32>
    %dot_general3A_391 = arith.constant dense<0.000000e+00> : vector<2048x128xf32>
    %dot_general3A_392 = tpu.matmul %reshape3A_387, %get3A_390, %dot_general3A_391 {dimension_numbers = #tpu.dot_dimension_numbers<[1], [0], [0], [1], [0, 0, 1, 1], [], []>, transpose_lhs_hint = false} : vector<2048x128xf32>, vector<128x128xf32>, vector<2048x128xf32> -> vector<2048x128xf32>
    %reshape3A_393 = vector.shape_cast %dot_general3A_392 : vector<2048x128xf32> to vector<32x64x128xf32>
    %get3A_394 = arith.constant 0 : index
    %get3A_395 = arith.constant 0 : index
    %get3A_396 = vector.load %arg5[%get3A_394, %get3A_395] : memref<64x128xf32, #tpu.memory_space<vmem>>, vector<64x128xf32>
    %broadcast_in_dim3A_397 = vector.shape_cast %get3A_396 : vector<64x128xf32> to vector<1x64x128xf32>
    %mul3A_398 = vector.broadcast %broadcast_in_dim3A_397 : vector<1x64x128xf32> to vector<32x64x128xf32>
    %mul3A_399 = arith.mulf %reshape3A_393, %mul3A_398 : vector<32x64x128xf32>
    %reduce_sum3A_400 = arith.constant dense<0.000000e+00> : vector<32x128xf32>
    %reduce_sum3A_401 = vector.multi_reduction <add>, %mul3A_399, %reduce_sum3A_400 [1] : vector<32x64x128xf32> to vector<32x128xf32>
    %get3A_402 = arith.constant 0 : index
    %get3A_403 = arith.constant 1408 : index
    %get3A_404 = vector.load %arg3[%get3A_402, %get3A_403] : memref<1x2000xf32, #tpu.memory_space<vmem>>, vector<1x128xf32>
    %get3A_405 = vector.shape_cast %get3A_404 : vector<1x128xf32> to vector<128xf32>
    %broadcast_in_dim3A_406 = vector.shape_cast %get3A_405 : vector<128xf32> to vector<1x128xf32>
    %add3A_407 = vector.broadcast %broadcast_in_dim3A_406 : vector<1x128xf32> to vector<32x128xf32>
    %add3A_408 = arith.addf %reduce_sum3A_401, %add3A_407 : vector<32x128xf32>
    %swap3A_409 = arith.constant 0 : index
    %swap3A_410 = arith.constant 1408 : index
    %swap3A_411 = vector.load %arg6[%swap3A_409, %swap3A_410] : memref<32x2000xf32, #tpu.memory_space<vmem>>, vector<32x128xf32>
    tpu.vector_store %arg6[%swap3A_409, %swap3A_410], %add3A_408 {strides = array<i32>} : memref<32x2000xf32, #tpu.memory_space<vmem>>, vector<32x128xf32>,
    %get3A_412 = arith.constant 0 : index
    %get3A_413 = arith.constant 768 : index
    %get3A_414 = arith.constant 0 : index
    %get3A_415 = vector.load %arg1[%get3A_412, %get3A_413, %get3A_414] : memref<32x1000x128xf32, #tpu.memory_space<vmem>>, vector<32x64x128xf32>
    %get3A_416 = arith.constant 0 : index
    %get3A_417 = arith.constant 768 : index
    %get3A_418 = arith.constant 0 : index
    %get3A_419 = vector.load %arg2[%get3A_416, %get3A_417, %get3A_418] : memref<1x1000x128xf32, #tpu.memory_space<vmem>>, vector<1x64x128xf32>
    %mul3A_420 = vector.broadcast %get3A_419 : vector<1x64x128xf32> to vector<32x64x128xf32>
    %mul3A_421 = arith.mulf %get3A_415, %mul3A_420 : vector<32x64x128xf32>
    %reshape3A_422 = vector.shape_cast %mul3A_421 : vector<32x64x128xf32> to vector<2048x128xf32>
    %get3A_423 = arith.constant 0 : index
    %get3A_424 = arith.constant 0 : index
    %get3A_425 = vector.load %arg4[%get3A_423, %get3A_424] : memref<128x128xf32, #tpu.memory_space<vmem>>, vector<128x128xf32>
    %dot_general3A_426 = arith.constant dense<0.000000e+00> : vector<2048x128xf32>
    %dot_general3A_427 = tpu.matmul %reshape3A_422, %get3A_425, %dot_general3A_426 {dimension_numbers = #tpu.dot_dimension_numbers<[1], [0], [0], [1], [0, 0, 1, 1], [], []>, transpose_lhs_hint = false} : vector<2048x128xf32>, vector<128x128xf32>, vector<2048x128xf32> -> vector<2048x128xf32>
    %reshape3A_428 = vector.shape_cast %dot_general3A_427 : vector<2048x128xf32> to vector<32x64x128xf32>
    %get3A_429 = arith.constant 0 : index
    %get3A_430 = arith.constant 0 : index
    %get3A_431 = vector.load %arg5[%get3A_429, %get3A_430] : memref<64x128xf32, #tpu.memory_space<vmem>>, vector<64x128xf32>
    %broadcast_in_dim3A_432 = vector.shape_cast %get3A_431 : vector<64x128xf32> to vector<1x64x128xf32>
    %mul3A_433 = vector.broadcast %broadcast_in_dim3A_432 : vector<1x64x128xf32> to vector<32x64x128xf32>
    %mul3A_434 = arith.mulf %reshape3A_428, %mul3A_433 : vector<32x64x128xf32>
    %reduce_sum3A_435 = arith.constant dense<0.000000e+00> : vector<32x128xf32>
    %reduce_sum3A_436 = vector.multi_reduction <add>, %mul3A_434, %reduce_sum3A_435 [1] : vector<32x64x128xf32> to vector<32x128xf32>
    %get3A_437 = arith.constant 0 : index
    %get3A_438 = arith.constant 1536 : index
    %get3A_439 = vector.load %arg3[%get3A_437, %get3A_438] : memref<1x2000xf32, #tpu.memory_space<vmem>>, vector<1x128xf32>
    %get3A_440 = vector.shape_cast %get3A_439 : vector<1x128xf32> to vector<128xf32>
    %broadcast_in_dim3A_441 = vector.shape_cast %get3A_440 : vector<128xf32> to vector<1x128xf32>
    %add3A_442 = vector.broadcast %broadcast_in_dim3A_441 : vector<1x128xf32> to vector<32x128xf32>
    %add3A_443 = arith.addf %reduce_sum3A_436, %add3A_442 : vector<32x128xf32>
    %swap3A_444 = arith.constant 0 : index
    %swap3A_445 = arith.constant 1536 : index
    %swap3A_446 = vector.load %arg6[%swap3A_444, %swap3A_445] : memref<32x2000xf32, #tpu.memory_space<vmem>>, vector<32x128xf32>
    tpu.vector_store %arg6[%swap3A_444, %swap3A_445], %add3A_443 {strides = array<i32>} : memref<32x2000xf32, #tpu.memory_space<vmem>>, vector<32x128xf32>,
    %get3A_447 = arith.constant 0 : index
    %get3A_448 = arith.constant 832 : index
    %get3A_449 = arith.constant 0 : index
    %get3A_450 = vector.load %arg1[%get3A_447, %get3A_448, %get3A_449] : memref<32x1000x128xf32, #tpu.memory_space<vmem>>, vector<32x64x128xf32>
    %get3A_451 = arith.constant 0 : index
    %get3A_452 = arith.constant 832 : index
    %get3A_453 = arith.constant 0 : index
    %get3A_454 = vector.load %arg2[%get3A_451, %get3A_452, %get3A_453] : memref<1x1000x128xf32, #tpu.memory_space<vmem>>, vector<1x64x128xf32>
    %mul3A_455 = vector.broadcast %get3A_454 : vector<1x64x128xf32> to vector<32x64x128xf32>
    %mul3A_456 = arith.mulf %get3A_450, %mul3A_455 : vector<32x64x128xf32>
    %reshape3A_457 = vector.shape_cast %mul3A_456 : vector<32x64x128xf32> to vector<2048x128xf32>
    %get3A_458 = arith.constant 0 : index
    %get3A_459 = arith.constant 0 : index
    %get3A_460 = vector.load %arg4[%get3A_458, %get3A_459] : memref<128x128xf32, #tpu.memory_space<vmem>>, vector<128x128xf32>
    %dot_general3A_461 = arith.constant dense<0.000000e+00> : vector<2048x128xf32>
    %dot_general3A_462 = tpu.matmul %reshape3A_457, %get3A_460, %dot_general3A_461 {dimension_numbers = #tpu.dot_dimension_numbers<[1], [0], [0], [1], [0, 0, 1, 1], [], []>, transpose_lhs_hint = false} : vector<2048x128xf32>, vector<128x128xf32>, vector<2048x128xf32> -> vector<2048x128xf32>
    %reshape3A_463 = vector.shape_cast %dot_general3A_462 : vector<2048x128xf32> to vector<32x64x128xf32>
    %get3A_464 = arith.constant 0 : index
    %get3A_465 = arith.constant 0 : index
    %get3A_466 = vector.load %arg5[%get3A_464, %get3A_465] : memref<64x128xf32, #tpu.memory_space<vmem>>, vector<64x128xf32>
    %broadcast_in_dim3A_467 = vector.shape_cast %get3A_466 : vector<64x128xf32> to vector<1x64x128xf32>
    %mul3A_468 = vector.broadcast %broadcast_in_dim3A_467 : vector<1x64x128xf32> to vector<32x64x128xf32>
    %mul3A_469 = arith.mulf %reshape3A_463, %mul3A_468 : vector<32x64x128xf32>
    %reduce_sum3A_470 = arith.constant dense<0.000000e+00> : vector<32x128xf32>
    %reduce_sum3A_471 = vector.multi_reduction <add>, %mul3A_469, %reduce_sum3A_470 [1] : vector<32x64x128xf32> to vector<32x128xf32>
    %get3A_472 = arith.constant 0 : index
    %get3A_473 = arith.constant 1664 : index
    %get3A_474 = vector.load %arg3[%get3A_472, %get3A_473] : memref<1x2000xf32, #tpu.memory_space<vmem>>, vector<1x128xf32>
    %get3A_475 = vector.shape_cast %get3A_474 : vector<1x128xf32> to vector<128xf32>
    %broadcast_in_dim3A_476 = vector.shape_cast %get3A_475 : vector<128xf32> to vector<1x128xf32>
    %add3A_477 = vector.broadcast %broadcast_in_dim3A_476 : vector<1x128xf32> to vector<32x128xf32>
    %add3A_478 = arith.addf %reduce_sum3A_471, %add3A_477 : vector<32x128xf32>
    %swap3A_479 = arith.constant 0 : index
    %swap3A_480 = arith.constant 1664 : index
    %swap3A_481 = vector.load %arg6[%swap3A_479, %swap3A_480] : memref<32x2000xf32, #tpu.memory_space<vmem>>, vector<32x128xf32>
    tpu.vector_store %arg6[%swap3A_479, %swap3A_480], %add3A_478 {strides = array<i32>} : memref<32x2000xf32, #tpu.memory_space<vmem>>, vector<32x128xf32>,
    %get3A_482 = arith.constant 0 : index
    %get3A_483 = arith.constant 896 : index
    %get3A_484 = arith.constant 0 : index
    %get3A_485 = vector.load %arg1[%get3A_482, %get3A_483, %get3A_484] : memref<32x1000x128xf32, #tpu.memory_space<vmem>>, vector<32x64x128xf32>
    %get3A_486 = arith.constant 0 : index
    %get3A_487 = arith.constant 896 : index
    %get3A_488 = arith.constant 0 : index
    %get3A_489 = vector.load %arg2[%get3A_486, %get3A_487, %get3A_488] : memref<1x1000x128xf32, #tpu.memory_space<vmem>>, vector<1x64x128xf32>
    %mul3A_490 = vector.broadcast %get3A_489 : vector<1x64x128xf32> to vector<32x64x128xf32>
    %mul3A_491 = arith.mulf %get3A_485, %mul3A_490 : vector<32x64x128xf32>
    %reshape3A_492 = vector.shape_cast %mul3A_491 : vector<32x64x128xf32> to vector<2048x128xf32>
    %get3A_493 = arith.constant 0 : index
    %get3A_494 = arith.constant 0 : index
    %get3A_495 = vector.load %arg4[%get3A_493, %get3A_494] : memref<128x128xf32, #tpu.memory_space<vmem>>, vector<128x128xf32>
    %dot_general3A_496 = arith.constant dense<0.000000e+00> : vector<2048x128xf32>
    %dot_general3A_497 = tpu.matmul %reshape3A_492, %get3A_495, %dot_general3A_496 {dimension_numbers = #tpu.dot_dimension_numbers<[1], [0], [0], [1], [0, 0, 1, 1], [], []>, transpose_lhs_hint = false} : vector<2048x128xf32>, vector<128x128xf32>, vector<2048x128xf32> -> vector<2048x128xf32>
    %reshape3A_498 = vector.shape_cast %dot_general3A_497 : vector<2048x128xf32> to vector<32x64x128xf32>
    %get3A_499 = arith.constant 0 : index
    %get3A_500 = arith.constant 0 : index
    %get3A_501 = vector.load %arg5[%get3A_499, %get3A_500] : memref<64x128xf32, #tpu.memory_space<vmem>>, vector<64x128xf32>
    %broadcast_in_dim3A_502 = vector.shape_cast %get3A_501 : vector<64x128xf32> to vector<1x64x128xf32>
    %mul3A_503 = vector.broadcast %broadcast_in_dim3A_502 : vector<1x64x128xf32> to vector<32x64x128xf32>
    %mul3A_504 = arith.mulf %reshape3A_498, %mul3A_503 : vector<32x64x128xf32>
    %reduce_sum3A_505 = arith.constant dense<0.000000e+00> : vector<32x128xf32>
    %reduce_sum3A_506 = vector.multi_reduction <add>, %mul3A_504, %reduce_sum3A_505 [1] : vector<32x64x128xf32> to vector<32x128xf32>
    %get3A_507 = arith.constant 0 : index
    %get3A_508 = arith.constant 1792 : index
    %get3A_509 = vector.load %arg3[%get3A_507, %get3A_508] : memref<1x2000xf32, #tpu.memory_space<vmem>>, vector<1x128xf32>
    %get3A_510 = vector.shape_cast %get3A_509 : vector<1x128xf32> to vector<128xf32>
    %broadcast_in_dim3A_511 = vector.shape_cast %get3A_510 : vector<128xf32> to vector<1x128xf32>
    %add3A_512 = vector.broadcast %broadcast_in_dim3A_511 : vector<1x128xf32> to vector<32x128xf32>
    %add3A_513 = arith.addf %reduce_sum3A_506, %add3A_512 : vector<32x128xf32>
    %swap3A_514 = arith.constant 0 : index
    %swap3A_515 = arith.constant 1792 : index
    %swap3A_516 = vector.load %arg6[%swap3A_514, %swap3A_515] : memref<32x2000xf32, #tpu.memory_space<vmem>>, vector<32x128xf32>
    tpu.vector_store %arg6[%swap3A_514, %swap3A_515], %add3A_513 {strides = array<i32>} : memref<32x2000xf32, #tpu.memory_space<vmem>>, vector<32x128xf32>,
    %get3A_517 = arith.constant 0 : index
    %get3A_518 = arith.constant 960 : index
    %get3A_519 = arith.constant 0 : index
    %get3A_520 = vector.load %arg1[%get3A_517, %get3A_518, %get3A_519] : memref<32x1000x128xf32, #tpu.memory_space<vmem>>, vector<32x40x128xf32>
    %get3A_521 = arith.constant 0 : index
    %get3A_522 = arith.constant 960 : index
    %get3A_523 = arith.constant 0 : index
    %get3A_524 = vector.load %arg2[%get3A_521, %get3A_522, %get3A_523] : memref<1x1000x128xf32, #tpu.memory_space<vmem>>, vector<1x40x128xf32>
    %mul3A_525 = vector.broadcast %get3A_524 : vector<1x40x128xf32> to vector<32x40x128xf32>
    %mul3A_526 = arith.mulf %get3A_520, %mul3A_525 : vector<32x40x128xf32>
    %reshape3A_527 = vector.shape_cast %mul3A_526 : vector<32x40x128xf32> to vector<1280x128xf32>
    %get3A_528 = arith.constant 0 : index
    %get3A_529 = arith.constant 0 : index
    %get3A_530 = vector.load %arg4[%get3A_528, %get3A_529] : memref<128x128xf32, #tpu.memory_space<vmem>>, vector<128x128xf32>
    %dot_general3A_531 = arith.constant dense<0.000000e+00> : vector<1280x128xf32>
    %dot_general3A_532 = tpu.matmul %reshape3A_527, %get3A_530, %dot_general3A_531 {dimension_numbers = #tpu.dot_dimension_numbers<[1], [0], [0], [1], [0, 0, 1, 1], [], []>, transpose_lhs_hint = false} : vector<1280x128xf32>, vector<128x128xf32>, vector<1280x128xf32> -> vector<1280x128xf32>
    %reshape3A_533 = vector.shape_cast %dot_general3A_532 : vector<1280x128xf32> to vector<32x40x128xf32>
    %get3A_534 = arith.constant 0 : index
    %get3A_535 = arith.constant 0 : index
    %get3A_536 = vector.load %arg5[%get3A_534, %get3A_535] : memref<64x128xf32, #tpu.memory_space<vmem>>, vector<40x128xf32>
    %broadcast_in_dim3A_537 = vector.shape_cast %get3A_536 : vector<40x128xf32> to vector<1x40x128xf32>
    %mul3A_538 = vector.broadcast %broadcast_in_dim3A_537 : vector<1x40x128xf32> to vector<32x40x128xf32>
    %mul3A_539 = arith.mulf %reshape3A_533, %mul3A_538 : vector<32x40x128xf32>
    %reduce_sum3A_540 = arith.constant dense<0.000000e+00> : vector<32x128xf32>
    %reduce_sum3A_541 = vector.multi_reduction <add>, %mul3A_539, %reduce_sum3A_540 [1] : vector<32x40x128xf32> to vector<32x128xf32>
    %slice3A = vector.extract_strided_slice %reduce_sum3A_541 {offsets = [0, 0], sizes = [32, 80], strides = [1, 1]} : vector<32x128xf32> to vector<32x80xf32>
    %get3A_542 = arith.constant 0 : index
    %get3A_543 = arith.constant 1920 : index
    %get3A_544 = vector.load %arg3[%get3A_542, %get3A_543] : memref<1x2000xf32, #tpu.memory_space<vmem>>, vector<1x80xf32>
    %get3A_545 = vector.shape_cast %get3A_544 : vector<1x80xf32> to vector<80xf32>
    %broadcast_in_dim3A_546 = vector.shape_cast %get3A_545 : vector<80xf32> to vector<1x80xf32>
    %add3A_547 = vector.broadcast %broadcast_in_dim3A_546 : vector<1x80xf32> to vector<32x80xf32>
    %add3A_548 = arith.addf %slice3A, %add3A_547 : vector<32x80xf32>
    %swap3A_549 = arith.constant 0 : index
    %swap3A_550 = arith.constant 1920 : index
    %swap3A_551 = vector.load %arg6[%swap3A_549, %swap3A_550] : memref<32x2000xf32, #tpu.memory_space<vmem>>, vector<32x80xf32>
    tpu.vector_store %arg6[%swap3A_549, %swap3A_550], %add3A_548 {strides = array<i32>} : memref<32x2000xf32, #tpu.memory_space<vmem>>, vector<32x80xf32>,
    return
  }
  func.func @transform_0(%arg0: i32) -> (i32, i32, i32) {
    %c0_i32 = arith.constant 0 : i32
    %c0_i32_0 = arith.constant 0 : i32
    %c0_i32_1 = arith.constant 0 : i32
    return %arg0, %c0_i32, %c0_i32_0 : i32, i32, i32
  }
  func.func @transform_1(%arg0: i32) -> (i32, i32, i32) {
    %c0_i32 = arith.constant 0 : i32
    %c0_i32_0 = arith.constant 0 : i32
    %c0_i32_1 = arith.constant 0 : i32
    %c0_i32_2 = arith.constant 0 : i32
    return %c0_i32, %c0_i32_0, %c0_i32_1 : i32, i32, i32
  }
  func.func @transform_2(%arg0: i32) -> (i32, i32) {
    %c0_i32 = arith.constant 0 : i32
    %c0_i32_0 = arith.constant 0 : i32
    %c0_i32_1 = arith.constant 0 : i32
    return %c0_i32, %c0_i32_0 : i32, i32
  }
  func.func @transform_3(%arg0: i32) -> (i32, i32) {
    %c0_i32 = arith.constant 0 : i32
    %c0_i32_0 = arith.constant 0 : i32
    %c0_i32_1 = arith.constant 0 : i32
    return %c0_i32, %c0_i32_0 : i32, i32
  }
  func.func @transform_4(%arg0: i32) -> (i32, i32) {
    %c0_i32 = arith.constant 0 : i32
    %c0_i32_0 = arith.constant 0 : i32
    %c0_i32_1 = arith.constant 0 : i32
    return %c0_i32, %c0_i32_0 : i32, i32
  }
  func.func @transform_5(%arg0: i32) -> (i32, i32) {
    %c0_i32 = arith.constant 0 : i32
    %c0_i32_0 = arith.constant 0 : i32
    return %arg0, %c0_i32 : i32, i32
  }
}

</mosaic_0001>

<sc_bundles>
// kernel: kernel.4.cloned.1.call-start
scs
__scs_entry_jumppad:
0x0: {  	(pc) =	sbr.rel $0x88, $3  }
0x1: {  	(tag) =	ssettag $0x0;
	lr =	simm.s32 $0x1  }
0x2: {  	[smem:$0x3F9D] =	sst lr;
	_ =	strace $0xD0000000  }
0x3: {  	_ = 	snop  }
0x4: {  	_ = 	snop  }
0x5: {  	_ = 	snop  }
0x6: {  	_ = 	snop  }
0x7: {  	_ = 	snop  }
__scs_overlays_trampoline_lowered:
0x8: {  	[smem:$0x3FAC] =	sst s0  }
0x9: {  	[smem:$0x3FAD] =	sst s1  }
0xa: {  	[smem:$0x3FAE] =	sst s2  }
0xb: {  	[smem:$0x3FAF] =	sst s3  }
0xc: {  	[smem:$0x3FB0] =	sst s4  }
0xd: {  	[smem:$0x3FB1] =	sst s5  }
0xe: {  	[smem:$0x3FB2] =	sst s6  }
0xf: {  	[smem:$0x3FB3] =	sst s7  }
0x10: {  	[smem:$0x3FB4] =	sst s8  }
0x11: {  	[smem:$0x3FB5] =	sst s9;
	s0 =	simm.s32 @!p0 $0x0  }
0x12: {  	s1 =	sld [smem:$0x3F9B];
	s0 =	simm.s32 @p0 $0x1  }
0x13: {  	[smem:$0x3FB6] =	sst s0;
	s0 =	simm.s32 @!p1 $0x0  }
0x14: {  	s2 =	sld [smem:$0x3F9A];
	s0 =	simm.s32 @p1 $0x1  }
0x15: {  	[smem:$0x3FB7] =	sst s0;
	s0 =	simm.s32 @!p2 $0x0  }
0x16: {  	s3 =	sld [smem:$0x3FDB];
	s0 =	simm.s32 @p2 $0x1  }
0x17: {  	s4 =	simm.s32 $0x1BF5;
	[smem:$0x3FB9] =	sst s0  }
0x18: {  	s0 =	sld [smem:$0x3F9C];
	_ =	swait.ge [sflag:s4], $0x0  }
0x19: {  	s7 =	sld [smem:$0x3F9D]  }
0x1a: {  	s8 =	sadd.s32 $0xFFFFE003, lr  }
0x1b: {  	s9 =	sadd.s32 $0xFFFFFEF7, lr;
	s5 =	simm.s32 $0xFFFFFFFF;
	p2 =	slt.u32 s8, $0xFFFFF086  }
0x1c: {  	p1 =	slt.u32 s9, $0xF7A;
	s5 =	simm.s32 @!p2 $0x0  }
0x1d: {  	s5 =	simm.s32 @p1 $0x1;
	p0 =	seq.s32 s7, s2  }
0x1e: {  	s7 =	smul.u32 @!p0 $0xF7A, s2;
	p2 =	seq.s32 @!p0 s5, $0x0  }
0x1f: {  	s9 =	smul.u32 $0xF7A, s1;
	s8 =	simm.s32 @!p0 $0x1BF5;
	p2 =	por !p2, p0  }
0x20: {  	[sflag:s8] =	ssyncset.s32 @!p0 $0xFFFFF086;
	s6 =	sadd.s32 @!p0 s3, s7;
	s7 =	simm.s32 @!p0 $0x108  }
0x21: {  	s3 =	sadd.s32 s3, s9;
	s6 =	sadd.s32 @!p0 $0x88, s6;
	s7 =	simm.s32 @p2 $0x1082  }
0x22: {  	[simem:s7], [sflag:s8] =	dma.local @!p0 [hbm:s6], $0xF7A  }
0x23: {  	s9 =	sor.u32 $0xD0000000, s2;
	s6 =	simm.s32 $0x108;
	_ =	swait.ge @!p0 [sflag:s8], $0x0  }
0x24: {  	s3 =	sadd.s32 $0x88, s3;
	s6 =	simm.s32 @!p1 $0x1082;
	[sflag:s4] =	ssyncset.s32 $0xFFFFF086  }
0x25: {  	[simem:s6], [sflag:s4] =	dma.local [hbm:s3], $0xF7A  }
0x26: {  	[smem:$0x3F9D] =	sst s1;
	(tag) =	ssettag s2;
	_ =	strace s9  }
0x27: {  	s1 =	sld [smem:$0x3FAD]  }
0x28: {  	s2 =	sld [smem:$0x3FAE]  }
0x29: {  	s4 =	sld [smem:$0x3FB0]  }
0x2a: {  	p0 =	seq.s32 s5, $0x0;
	s5 =	sld [smem:$0x3FB1]  }
0x2b: {  	s6 =	sld [smem:$0x3FB2]  }
0x2c: {  	s7 =	sld [smem:$0x3FB3]  }
0x2d: {  	s3 =	simm.s32 $0x108;
	s8 =	sld [smem:$0x3FB4]  }
0x2e: {  	s3 =	simm.s32 @!p0 $0x1082;
	s9 =	sld [smem:$0x3FB5]  }
0x2f: {  	lr =	sadd.s32 s0, s3;
	s0 =	sld [smem:$0x3FAC]  }
0x30: {  	s3 =	sld [smem:$0x3FAF]  }
0x31: {  	[smem:$0x3FB8] =	sst s10  }
0x32: {  	s10 =	sld [smem:$0x3FB6];
	_ =	sdelay $0x3  }
0x33: {  	p0 =	seq.s32 s10, $0x1;
	s10 =	sld [smem:$0x3FB8];
	_ =	sdelay $0x3  }
0x34: {  	[smem:$0x3FB8] =	sst s10  }
0x35: {  	s10 =	sld [smem:$0x3FB7];
	_ =	sdelay $0x3  }
0x36: {  	p1 =	seq.s32 s10, $0x1;
	s10 =	sld [smem:$0x3FB8];
	_ =	sdelay $0x3  }
0x37: {  	[smem:$0x3FB8] =	sst s10  }
0x38: {  	s10 =	sld [smem:$0x3FB9]  }
0x39: {  	_ = 	snop;
	(pc) =	sbr.ind lr, $3  }
0x3a: {  	_ = 	snop  }
0x3b: {  	_ = 	snop  }
0x3c: {  	p2 =	seq.s32 s10, $0x1;
	s10 =	sld [smem:$0x3FB8]  }
0x3d: {  	_ =	shalt  }
0x3e: {  	_ =	shalt  }
0x3f: {  	_ =	shalt  }
0x40: {  	_ =	shalt  }
0x41: {  	_ =	shalt  }
0x42: {  	_ =	shalt  }
0x43: {  	_ =	shalt  }
0x44: {  	_ =	shalt  }
0x45: {  	_ =	shalt  }
0x46: {  	_ =	shalt  }
0x47: {  	_ =	shalt  }
0x48: {  	_ =	shalt  }
0x49: {  	_ =	shalt  }
0x4a: {  	_ =	shalt  }
0x4b: {  	_ =	shalt  }
0x4c: {  	_ =	shalt  }
0x4d: {  	_ =	shalt  }
0x4e: {  	_ =	shalt  }
0x4f: {  	_ =	shalt  }
0x50: {  	_ =	shalt  }
0x51: {  	_ =	shalt  }
0x52: {  	_ =	shalt  }
0x53: {  	_ =	shalt  }
0x54: {  	_ =	shalt  }
0x55: {  	_ =	shalt  }
0x56: {  	_ =	shalt  }
0x57: {  	_ =	shalt  }
0x58: {  	_ =	shalt  }
0x59: {  	_ =	shalt  }
0x5a: {  	_ =	shalt  }
0x5b: {  	_ =	shalt  }
0x5c: {  	_ =	shalt  }
0x5d: {  	_ =	shalt  }
0x5e: {  	_ =	shalt  }
0x5f: {  	_ =	shalt  }
0x60: {  	_ =	shalt  }
0x61: {  	_ =	shalt  }
0x62: {  	_ =	shalt  }
0x63: {  	_ =	shalt  }
0x64: {  	_ =	shalt  }
0x65: {  	_ =	shalt  }
0x66: {  	_ =	shalt  }
0x67: {  	_ =	shalt  }
0x68: {  	_ =	shalt  }
0x69: {  	_ =	shalt  }
0x6a: {  	_ =	shalt  }
0x6b: {  	_ =	shalt  }
0x6c: {  	_ =	shalt  }
0x6d: {  	_ =	shalt  }
0x6e: {  	_ =	shalt  }
0x6f: {  	_ =	shalt  }
0x70: {  	_ =	shalt  }
0x71: {  	_ =	shalt  }
0x72: {  	_ =	shalt  }
0x73: {  	_ =	shalt  }
0x74: {  	_ =	shalt  }
0x75: {  	_ =	shalt  }
0x76: {  	_ =	shalt  }
0x77: {  	_ =	shalt  }
0x78: {  	_ =	shalt  }
0x79: {  	_ =	shalt  }
0x7a: {  	_ =	shalt  }
0x7b: {  	_ =	shalt  }
0x7c: {  	_ =	shalt  }
0x7d: {  	_ =	shalt  }
0x7e: {  	_ =	shalt  }
0x7f: {  	_ =	shalt  }
0x80: {  	_ =	shalt  }
0x81: {  	_ =	shalt  }
0x82: {  	_ =	shalt  }
0x83: {  	_ =	shalt  }
0x84: {  	_ =	shalt  }
0x85: {  	_ =	shalt  }
0x86: {  	_ =	shalt  }
0x87: {  	_ =	shalt  }
.Lfunc_end0:
.L_simem_size_0:
called_computation_lowered:
.L_overlay_start_0:
0x88: {  	s2 =	sld [smem:$0x3FD9]  }
0x89: {  	s3 =	sld [smem:$0x3FFE];
	_ =	sdelay $0x1  }
0x8a: {  	s1 =	srdreg.scid  }
0x8b: {  	s0 =	sand.u32 $0x1, s1  }
0x8c: {  	s17 =	sshll.u32 s0, $0xA;
	s2 =	sadd.s32 s3, s2  }
0x8d: {  	s2 =	sadd.s32 s2, s17  }
0x8e: {  	[smem:$0x3FC4] =	sst s2  }
0x8f: {  	_ = 	snop  }
0x90: {  	s2 =	sld [smem:$0x3FC6]  }
0x91: {  	s18 =	sld [smem:$0x3FD0];
	(tm) =	ssettm $0x1  }
0x92: {  	s4 =	sld [smem:$0x3FFB];
	_ =	sdelay $0x3  }
0x93: {  	_ =	strace s4  }
0x94: {  	s4 =	sld [smem:$0x3FFC];
	_ =	sdelay $0x3  }
0x95: {  	_ =	strace s4  }
0x96: {  	s4 =	sld [smem:$0x3FFD];
	_ =	sdelay $0x3  }
0x97: {  	_ =	strace s4  }
0x98: {  	_ =	strace $0x8FFFFFFF  }
0x99: {  	s19 =	sld [smem:$0x3FDB];
	_ =	sdelay $0x1  }
0x9a: {  	s5 =	simm.s32 $_scs_section_size  }
0x9b: {  	s6 =	simm.s32 $_size__tile_overlayer_lowered;
	s7 =	simm.s32 $_tile_overlayer_lowered  }
0x9c: {  	s22 =	simm.s32 $0x1BFF;
	s21 =	sshll.u32 s7, $0x1;
	s4 =	sadd.s32 s5, s19  }
0x9d: {  	s8 =	simm.s32 $0x0;
	s20 =	sshll.u32 s6, $0x1;
	s6 =	sadd.s32 s21, s4  }
0x9e: {  	[timem:s8], [sflag:s22] =	dma.local [hbm:s6], s20  }
0x9f: {  	_ =	swait.ge [sflag:s22], s20  }
0xa0: {  	s5 =	ssub.s32 $0x0, s20;
	[sflag:s22] =	ssyncset.done $0x0  }
0xa1: {  	[sflag:s22] =	ssyncadd.s32 s5;
	_ =	sdelay $0x1  }
0xa2: {  	s23 =	simm.s32 $0x1B8B  }
0xa3: {  	_ =	swait.ge [sflag:s23], $0x1  }
0xa4: {  	[sflag:s23] =	ssyncset.done $0x0  }
0xa5: {  	s25 =	simm.s32 $0x1B8E;
	s24 =	sld [smem:$0x3FFE];
	[sflag:s23] =	ssyncadd.s32 $0xFFFFFFFF  }
0xa6: {  	s26 =	simm.s32 $execute0_lowered;
	[smem:$0x3FD2] =	sst s25  }
0xa7: {  	s6 =	sshll.u32 s26, $0x1;
	_ =	strace $0x80000046;
	[dreg:$0x1] =	wrdreg $0xFFFFFFFF  }
0xa8: {  	s28 =	simm.s32 $_size_execute0_lowered;
	s4 =	sadd.s32 s4, s6;
	[dreg:$0x0] =	wrdreg $0x0  }
0xa9: {  	s6 =	sshll.u32 s28, $0x1;
	[dreg:$0x2] =	wrdreg s4  }
0xaa: {  	[dreg:$0x3] =	wrdreg s6  }
0xab: {  	[dreg:$0x4] =	wrdreg $0xC0  }
0xac: {  	_ =	task [dreg:s8], $0x5FFFF  }
0xad: {  	[dreg:$0x1] =	wrdreg $0xFFFFFFFF  }
0xae: {  	[dreg:$0x0] =	wrdreg $0x60  }
0xaf: {  	[dreg:$0x2] =	wrdreg s24  }
0xb0: {  	[dreg:$0x3] =	wrdreg s2  }
0xb1: {  	[dreg:$0x4] =	wrdreg s18  }
0xb2: {  	[dreg:$0x5] =	wrdreg $0x9  }
0xb3: {  	_ =	task.clear_ibuf [dreg:s8], $0x6FFFF;
	_ =	strace $0x90000046  }
0xb4: {  	s29 =	simm.s32 $0x9;
	_ =	strace $0x80000048  }
0xb5: {  	_ =	swait.ge [sflag:s29], $0x1  }
0xb6: {  	[sflag:s29] =	ssyncadd.s32 $0xFFFFFFFF  }
0xb7: {  	_ =	strace $0x90000048  }
0xb8: {  	_ =	sfence  }
0xb9: {  	s30 =	sld [smem:$0x0];
	_ =	sdelay $0x2  }
0xba: {  	s31 =	sshll.u32 s1, $0xD;
	s1 =	sshrl.u32 s1, $0x2  }
0xbb: {  	s3 =	sand.u32 $0x4000, s31;
	s1 =	sadd.s32 s1, s30  }
0xbc: {  	s0 =	sor.u32 s3, s0;
	s1 =	sshll.u32 s1, $0x11  }
0xbd: {  	s0 =	sor.u32 s1, s0  }
0xbe: {  	s0 =	sadd.s32 $0x8F2B, s0  }
0xbf: {  	[sflag:s0] =	ssyncadd.remote.s32 $0x1  }
0xc0: {  	_ =	sfence.sel $0xFFFF  }
0xc1: {  	[dreg:$0x0] =	wrdreg $0xFFFFFFFF;
	(pc) =	sbr.abs _section_cstart, $3  }
0xc2: {  	[dreg:$0x1] =	wrdreg $0xFFFFFFFF  }
0xc3: {  	_ =	task.clear_ibuf [dreg:s8], $0x2FFFF;
	_ =	strace $0x9FFFFFFF  }
0xc4: {  	(tm) =	ssettm $0x7FFFFFFF  }
0xc5: {  	_ =	shalt  }
tec
execute0_lowered:
.L_overlay_start_1:
0x0: {  	(tag) =	ssettag $0x1  }
0x1: {  	s1 =	srdreg.scid  }
0x2: {  	s6 =	rddreg [dreg:$0x0];
	s0 =	stileid.u32;
	s11 =	sand.u32 $0x1, s1  }
0x3: {  	s2 =	rddreg [dreg:$0x1];
	s29 =	sshll.u32 s0, $0x7;
	s3 =	sshll.u32 s11, $0x6  }
0x4: {  	s10 =	rddreg [dreg:$0x2];
	s12 =	sor.u32 s3, s29  }
0x5: {  	s1 =	rddreg [dreg:$0x3];
	s3 =	simm.s32 $0x0;
	s4 =	sshrl.u32 s12, $0x3  }
0x6: {  	[smem:$0x7FF] =	sst s3;
	s13 =	sadd.s32 s4, s6  }
0x7: {  	_ =	strace $0x80000047;
	s4 =	simm.s32 $0x3;
	s5 =	sadd.s32 $0x3B800, s13  }
0x8: {  	[tilespmem:s3], [sflag:$0x3] =	stream.linear.gather [hbm4b:s5+s3], $0x40, $0x38;
	[tilespmem:$0x1080] =	vst v63  }
0x9: {  	_ =	swait.ge [sflag:s4], $0x40  }
0xa: {  	[sflag:s4] =	ssyncset.done $0x0  }
0xb: {  	s7 =	simm.s32 $0x40;
	s6 =	sadd.s32 $0xE00, s6;
	[sflag:s4] =	ssyncadd.s32 $0xFFFFFFC0  }
0xc: {  	[tilespmem:s7], [sflag:$0x1] =	stream.indirect.gather [hbm4b:s6+s7], $0x40, s3, s7, $0xb8;
	[tilespmem:$0x1080] =	vst v63  }
0xd: {  	s8 =	simm.s32 $0x1040;
	s9 =	simm.s32 $0x1  }
0xe: {  	[tilespmem:s8], [sflag:$0x2] =	stream.indirect.gather [hbm4b:s2+s7], $0x1, s3, s7, $0xb8;
	[tilespmem:$0x1080] =	vst v63  }
0xf: {  	_ =	swait.ge [sflag:s9], $0x1000  }
0x10: {  	s12 =	sshll.u32 s12, $0x3;
	[sflag:s9] =	ssyncset.done $0x0  }
0x11: {  	s30 =	ssub.s32 $0x2, s11;
	s10 =	sadd.s32 s10, s12;
	[sflag:s9] =	ssyncadd.s32 $0xFFFFF000  }
0x12: {  	[hbm4b:s10+s3] =	stream.linear.scatter [tilespmem:s7], [sflag:$0x3], $0x1000, $0x38;
	[tilespmem:$0x1080] =	vst v63  }
0x13: {  	s14 =	sshrl.u32 s30, $0x1;
	_ =	swait.ge [sflag:s4], $0x1000  }
0x14: {  	s14 =	ssub.s32 s30, s14;
	[sflag:s4] =	ssyncset.done $0x0  }
0x15: {  	s11 =	simm.s32 $0x2;
	s31 =	smax.u32 s14, $0x1;
	[sflag:s4] =	ssyncadd.s32 $0xFFFFF000  }
0x16: {  	p0 =	sne.s32 s31, $0x1;
	_ =	swait.ge [sflag:s11], $0x40  }
.Ltmp0:
0x17: {  	[sflag:s11] =	ssyncset.done $0x0;
	(pc) =	sbr.rel @!p0 .LBB2_2-.Ltmp0, $4  }
0x18: {  	s12 =	sadd.s32 $0x3BA00, s13;
	[sflag:s11] =	ssyncadd.s32 $0xFFFFFFC0  }
0x19: {  	[hbm4b:s12+s3] =	stream.linear.scatter [tilespmem:s8], [sflag:$0x3], $0x40, $0x38;
	[tilespmem:$0x1080] =	vst v63  }
0x1a: {  	_ =	swait.ge [sflag:s4], $0x40  }
0x1b: {  	s13 =	sadd.s32 $0xFFFFFFFF, s31;
	[sflag:s4] =	ssyncset.done $0x0  }
.LBB2_1:
0x1c: {  	p0 =	sne.s32 s13, $0x1;
	s13 =	sadd.s32 $0xFFFFFFFF, s13;
	[sflag:s4] =	ssyncadd.s32 $0xFFFFFFC0  }
0x1d: {  	[tilespmem:s3], [sflag:$0x3] =	stream.linear.gather [hbm4b:s5+s3], $0x40, $0x38;
	[tilespmem:$0x1080] =	vst v63  }
0x1e: {  	_ =	swait.ge [sflag:s4], $0x40  }
0x1f: {  	[sflag:s4] =	ssyncset.done $0x0  }
0x20: {  	[sflag:s4] =	ssyncadd.s32 $0xFFFFFFC0  }
0x21: {  	[tilespmem:s7], [sflag:$0x1] =	stream.indirect.gather [hbm4b:s6+s7], $0x40, s3, s7, $0xb8;
	[tilespmem:$0x1080] =	vst v63  }
0x22: {  	_ = 	snop  }
0x23: {  	[tilespmem:s8], [sflag:$0x2] =	stream.indirect.gather [hbm4b:s2+s7], $0x1, s3, s7, $0xb8;
	[tilespmem:$0x1080] =	vst v63  }
0x24: {  	_ =	swait.ge [sflag:s9], $0x1000  }
0x25: {  	[sflag:s9] =	ssyncset.done $0x0  }
0x26: {  	[sflag:s9] =	ssyncadd.s32 $0xFFFFF000  }
0x27: {  	[hbm4b:s10+s3] =	stream.linear.scatter [tilespmem:s7], [sflag:$0x3], $0x1000, $0x38;
	[tilespmem:$0x1080] =	vst v63  }
0x28: {  	_ =	swait.ge [sflag:s4], $0x1000  }
0x29: {  	[sflag:s4] =	ssyncset.done $0x0  }
0x2a: {  	[sflag:s4] =	ssyncadd.s32 $0xFFFFF000  }
0x2b: {  	_ =	swait.ge [sflag:s11], $0x40  }
.Ltmp1:
0x2c: {  	[sflag:s11] =	ssyncset.done $0x0;
	(pc) =	sbr.rel @p0 .LBB2_1-.Ltmp1, $4  }
0x2d: {  	[sflag:s11] =	ssyncadd.s32 $0xFFFFFFC0  }
0x2e: {  	[hbm4b:s12+s3] =	stream.linear.scatter [tilespmem:s8], [sflag:$0x3], $0x40, $0x38;
	[tilespmem:$0x1080] =	vst v63  }
0x2f: {  	_ =	swait.ge [sflag:s4], $0x40  }
0x30: {  	[sflag:s4] =	ssyncset.done $0x0  }
.LBB2_2:
0x31: {  	[sflag:s4] =	ssyncadd.s32 $0xFFFFFFC0  }
0x32: {  	_ =	sfence.sel $0x180000  }
0x33: {  	[bflag:$0x0] =	sbarrier.arrive $0xFFFF  }
0x34: {  	p0 =	sne.s32 s0, $0x0;
	_ =	strace $0x90000047  }
0x35: {  	s0 =	sadd.s32 @!p0 $0x100000, s1;
	[bflag:$0x2] =	sbarrier.arrive $0xFFFF  }
0x36: {  	[sflag:s0] =	ssyncadd.tile.s32 @!p0 $0x1;
	_ =	shalt  }
.Lfunc_end2:
_tile_overlayer_lowered:
.L_overlay_start_2:
0x37: {  	(tag) =	ssettag $0x2  }
0x38: {  	s0 =	rddreg [dreg:$0x0];
	s2 =	stileid.u32  }
0x39: {  	s1 =	rddreg [dreg:$0x1];
	p0 =	sne.s32 s2, $0x0  }
0x3a: {  	s3 =	rddreg [dreg:$0x2];
	[bflag:$0x3] =	sbarrier.arrive $0xFFFF;
	s2 =	simm.s32 @!p0 $0x1C03  }
0x3b: {  	[timem:s3], [sflag:s2] =	dma.local @!p0 [hbm:s0], s1  }
0x3c: {  	s0 =	simm.s32 @!p0 $0x3  }
0x3d: {  	_ =	swait.ge @!p0 [sflag:s0], s1  }
0x3e: {  	s1 =	ssub.s32 @!p0 $0x0, s1;
	[sflag:s0] =	ssyncset.done @!p0 $0x0  }
0x3f: {  	[sflag:s0] =	ssyncadd.s32 @!p0 s1  }
0x40: {  	[bflag:$0x3] =	sbarrier.arrive $0xFFFF  }
0x41: {  	_ =	shalt  }

</sc_bundles>
